<compile_context>
chip_gen: v7x
topology: tpu7x:2x2x1
jax: 0.10.2.dev20260603
libtpu: 0.0.44.dev20260713+nightly
codegen_flags: <defaults>
</compile_context>

<pallas_src>
import functools

import jax
import jax.numpy as jnp
from jax.experimental import pallas as pl
from jax.experimental.pallas import tpu as pltpu

B, OBS_DIM, ACT_DIM, NUM_ACTIONS, HID, KNN = 1024, 128, 32, 100000, 256, 50
STD_NOISE, CLIP_NOISE, ACT_LO, ACT_HI = 0.1, 0.5, -1.0, 1.0

N_PAD = 102400
DIST_BLK = 2048
NBLK = N_PAD // DIST_BLK
GRP = 16
NGRP = N_PAD // GRP
NPAIR = NGRP // 2
NCAND = 2 * KNN * GRP
PAD_VAL = 1000.0


def _actor_body(obs, noise, w1, b1, w2, b2, w3, b3, proto_out):
    h = jax.nn.relu(jnp.dot(obs[...], w1[...]) + b1[...])
    h = jax.nn.relu(jnp.dot(h, w2[...]) + b2[...])
    p = jnp.tanh(jnp.dot(h, w3[...]) + b3[...])
    smooth = jnp.clip(noise[...] * STD_NOISE, -CLIP_NOISE, CLIP_NOISE)
    proto_out[...] = jnp.clip(p + smooth, ACT_LO, ACT_HI)


def _dist_body(proto, psq, table, asq, dcols_out, gmin_out):
    s = jnp.dot(proto[...], table[...].T)
    d = psq[...] - 2.0 * s + asq[...]
    d3 = d.reshape(B, GRP, 128)
    dcols_out[...] = d3
    gmin_out[...] = jnp.min(d3, axis=1)


def _select_body(g_ref, gid_out):
    blk, width = g_ref.shape
    g = g_ref[...]
    iota = jax.lax.broadcasted_iota(jnp.int32, (blk, width), 1)
    out_iota = jax.lax.broadcasted_iota(jnp.int32, (blk, 128), 1)

    def step(i, carry):
        g, gids = carry
        m = jnp.min(g, axis=1, keepdims=True)
        loc = jnp.min(jnp.where(g == m, iota, width), axis=1, keepdims=True)
        g = jnp.where(iota == loc, jnp.float32(jnp.inf), g)
        gids = jnp.where(out_iota == i, loc, gids)
        return g, gids

    _, gids = jax.lax.fori_loop(
        0, KNN, step, (g, jnp.zeros((blk, 128), jnp.int32)), unroll=4)
    gid_out[...] = gids


def _critic_body(obs, acts, w1, b1, w2, b2, w3, b3, best_out):
    blk = obs.shape[0]
    obs_t = jnp.broadcast_to(obs[...][:, None, :], (blk, KNN, OBS_DIM))
    ca = jnp.concatenate([obs_t, acts[...]], axis=-1)
    ca = ca.reshape(blk * KNN, OBS_DIM + ACT_DIM)
    q = jax.nn.relu(jnp.dot(ca, w1[...]) + b1[...])
    q = jax.nn.relu(jnp.dot(q, w2[...]) + b2[...])
    q = (jnp.dot(q, w3[...]) + b3[...]).reshape(blk, KNN)
    iota = jax.lax.broadcasted_iota(jnp.int32, (blk, KNN), 1)
    m = jnp.max(q, axis=1, keepdims=True)
    sel = jnp.where(q >= m, iota, KNN)
    bi = jnp.min(sel, axis=1, keepdims=True)
    onehot = (iota == bi).astype(jnp.float32)
    best_out[...] = jnp.sum(acts[...] * onehot[:, :, None], axis=1)


def kernel(obs, noise, actions_table, W1a, b1a, W2a, b2a, W3a, b3a,
           W1c, b1c, W2c, b2c, W3c, b3c):
    f32 = jnp.float32

    proto = pl.pallas_call(
        _actor_body,
        out_shape=jax.ShapeDtypeStruct((B, ACT_DIM), f32),
    )(obs, noise, W1a, b1a.reshape(1, HID), W2a, b2a.reshape(1, HID),
      W3a, b3a.reshape(1, ACT_DIM))

    table_pad = jnp.concatenate(
        [actions_table,
         jnp.full((N_PAD - NUM_ACTIONS, ACT_DIM), PAD_VAL, f32)], axis=0)
    psq = jnp.sum(proto * proto, axis=1, keepdims=True)
    asq = jnp.sum(table_pad * table_pad, axis=1)[None, :]

    dcols, gmin = pl.pallas_call(
        _dist_body,
        grid=(NBLK,),
        in_specs=[
            pl.BlockSpec((B, ACT_DIM), lambda i: (0, 0)),
            pl.BlockSpec((B, 1), lambda i: (0, 0)),
            pl.BlockSpec((DIST_BLK, ACT_DIM), lambda i: (i, 0)),
            pl.BlockSpec((1, DIST_BLK), lambda i: (0, i)),
        ],
        out_specs=[
            pl.BlockSpec((B, GRP, 128), lambda i: (0, 0, i)),
            pl.BlockSpec((B, 128), lambda i: (0, i)),
        ],
        out_shape=[
            jax.ShapeDtypeStruct((B, GRP, NGRP), f32),
            jax.ShapeDtypeStruct((B, NGRP), f32),
        ],
        compiler_params=pltpu.CompilerParams(
            dimension_semantics=("parallel",)),
    )(proto, psq, table_pad, asq)

    pmin = jnp.minimum(gmin[:, :NPAIR], gmin[:, NPAIR:])
    sblk = 1024
    pid_full = pl.pallas_call(
        _select_body,
        grid=(B // sblk,),
        in_specs=[pl.BlockSpec((sblk, NPAIR), lambda i: (i, 0))],
        out_specs=pl.BlockSpec((sblk, 128), lambda i: (i, 0)),
        out_shape=jax.ShapeDtypeStruct((B, 128), jnp.int32),
        compiler_params=pltpu.CompilerParams(
            dimension_semantics=("parallel",)),
    )(pmin)
    pid = pid_full[:, :KNN]

    gidx2 = jnp.concatenate([pid, pid + NPAIR], axis=1)
    cands = jnp.take_along_axis(dcols, gidx2[:, None, :], axis=2)
    c_idx2 = gidx2 // 128
    l_idx2 = gidx2 % 128
    base2 = c_idx2 * DIST_BLK + l_idx2
    nn = base2[:, None, :] + 128 * jnp.arange(GRP, dtype=jnp.int32)[None, :, None]
    cv = cands.reshape(B, NCAND)
    ni = nn.reshape(B, NCAND)

    pos_full = pl.pallas_call(
        _select_body,
        grid=(B // sblk,),
        in_specs=[pl.BlockSpec((sblk, NCAND), lambda i: (i, 0))],
        out_specs=pl.BlockSpec((sblk, 128), lambda i: (i, 0)),
        out_shape=jax.ShapeDtypeStruct((B, 128), jnp.int32),
        compiler_params=pltpu.CompilerParams(
            dimension_semantics=("parallel",)),
    )(cv)
    idx = jnp.take_along_axis(ni, pos_full[:, :KNN], axis=1)
    raw_actions = jnp.take(actions_table, idx, axis=0)

    bblk = 128
    best = pl.pallas_call(
        _critic_body,
        grid=(B // bblk,),
        in_specs=[
            pl.BlockSpec((bblk, OBS_DIM), lambda i: (i, 0)),
            pl.BlockSpec((bblk, KNN, ACT_DIM), lambda i: (i, 0, 0)),
            pl.BlockSpec((OBS_DIM + ACT_DIM, HID), lambda i: (0, 0)),
            pl.BlockSpec((1, HID), lambda i: (0, 0)),
            pl.BlockSpec((HID, HID), lambda i: (0, 0)),
            pl.BlockSpec((1, HID), lambda i: (0, 0)),
            pl.BlockSpec((HID, 1), lambda i: (0, 0)),
            pl.BlockSpec((1, 1), lambda i: (0, 0)),
        ],
        out_specs=pl.BlockSpec((bblk, ACT_DIM), lambda i: (i, 0)),
        out_shape=jax.ShapeDtypeStruct((B, ACT_DIM), f32),
        compiler_params=pltpu.CompilerParams(
            dimension_semantics=("parallel",)),
    )(obs, raw_actions, W1c, b1c.reshape(1, HID), W2c, b2c.reshape(1, HID),
      W3c, b3c.reshape(1, 1))
    return best

# --- scband reference (transcript-rebuilt; emitter-appended) ---
"""Pipeline reference for scband-actor-critic-agent-66571993088082 (READ-ONLY COPY).

The authoritative reference and input builder live on the scoring server;
editing this copy changes nothing except your own understanding.
"""

import jax, jax.numpy as jnp
import numpy as np

B, OBS_DIM, ACT_DIM, NUM_ACTIONS, HID, KNN = 1024, 128, 32, 100000, 256, 50
STD_NOISE, CLIP_NOISE, ACT_LO, ACT_HI = 0.1, 0.5, -1.0, 1.0

def setup_inputs(seed: int = 0):
    key = jax.random.key(seed)
    ks = jax.random.split(key, 16)
    def n(k, shape, scale=1.0):
        return jax.random.normal(k, shape, dtype=jnp.float32) * scale
    inp = {}
    inp['obs'] = n(ks[0], (B, OBS_DIM))
    inp['noise'] = n(ks[1], (B, ACT_DIM))
    # discrete action space embedded in continuous [-1, 1]^ACT_DIM (Wolpertinger kNN keys)
    inp['actions_table'] = jax.random.uniform(ks[2], (NUM_ACTIONS, ACT_DIM), minval=-1.0, maxval=1.0, dtype=jnp.float32)
    # actor MLP: obs -> 256 -> 256 -> act_dim (tanh)
    inp['W1a'] = n(ks[3], (OBS_DIM, HID), 0.05)
    inp['b1a'] = jnp.zeros((HID,), jnp.float32)
    inp['W2a'] = n(ks[4], (HID, HID), 0.05)
    inp['b2a'] = jnp.zeros((HID,), jnp.float32)
    inp['W3a'] = n(ks[5], (HID, ACT_DIM), 0.05)
    inp['b3a'] = jnp.zeros((ACT_DIM,), jnp.float32)
    # critic MLP: [obs, act] -> 256 -> 256 -> 1
    inp['W1c'] = n(ks[6], (OBS_DIM + ACT_DIM, HID), 0.05)
    inp['b1c'] = jnp.zeros((HID,), jnp.float32)
    inp['W2c'] = n(ks[7], (HID, HID), 0.05)
    inp['b2c'] = jnp.zeros((HID,), jnp.float32)
    inp['W3c'] = n(ks[8], (HID, 1), 0.05)
    inp['b3c'] = jnp.zeros((1,), jnp.float32)
    return inp

def reference(obs, noise, actions_table, W1a, b1a, W2a, b2a, W3a, b3a, W1c, b1c, W2c, b2c, W3c, b3c):
    # actor: proto-action
    h = jax.nn.relu(obs @ W1a + b1a)
    h = jax.nn.relu(h @ W2a + b2a)
    proto = jnp.tanh(h @ W3a + b3a)
    # target policy smoothing: clipped noise added to proto-action
    smooth = jnp.clip(noise * STD_NOISE, -CLIP_NOISE, CLIP_NOISE)
    proto = jnp.clip(proto + smooth, ACT_LO, ACT_HI)
    # Wolpertinger kNN: squared-L2 distances proto vs discrete action embeddings
    d = (jnp.sum(proto * proto, axis=1, keepdims=True)
         - 2.0 * (proto @ actions_table.T)
         + jnp.sum(actions_table * actions_table, axis=1)[None, :])
    _, idx = jax.lax.top_k(-d, KNN)
    raw_actions = jnp.take(actions_table, idx, axis=0)  # [B, KNN, ACT_DIM]
    # critic evaluation of each of the k candidate actions (s_t tiled over knn)
    obs_t = jnp.broadcast_to(obs[:, None, :], (B, KNN, OBS_DIM))
    ca = jnp.concatenate([obs_t, raw_actions], axis=-1)
    q = jax.nn.relu(ca @ W1c + b1c)
    q = jax.nn.relu(q @ W2c + b2c)
    q = (q @ W3c + b3c)[..., 0]  # [B, KNN]
    best = jnp.argmax(q, axis=1)
    best_actions = jnp.take_along_axis(raw_actions, best[:, None, None], axis=1)[:, 0, :]
    return best_actions

if __name__ == "__main__":
    import jax
    _d = setup_inputs()
    print(jax.jit(kernel)(*tuple(_d.values())))

</pallas_src>

<mosaic_0001>
module attributes {stable_mosaic.version = 14 : i64} {
  func.func @_actor_body(%arg0: memref<1024x128xf32, #tpu.memory_space<vmem>>, %arg1: memref<1024x32xf32, #tpu.memory_space<vmem>>, %arg2: memref<128x256xf32, #tpu.memory_space<vmem>>, %arg3: memref<1x256xf32, #tpu.memory_space<vmem>>, %arg4: memref<256x256xf32, #tpu.memory_space<vmem>>, %arg5: memref<1x256xf32, #tpu.memory_space<vmem>>, %arg6: memref<256x32xf32, #tpu.memory_space<vmem>>, %arg7: memref<1x32xf32, #tpu.memory_space<vmem>>, %arg8: memref<1024x32xf32, #tpu.memory_space<vmem>>) attributes {dimension_semantics = [], scalar_prefetch = 0 : i64, scratch_operands = 0 : i64, tpu.core_type = #tpu.core_type<tc>} {
    %get3A = arith.constant 0 : index
    %get3A_0 = arith.constant 0 : index
    %get3A_1 = vector.load %arg0[%get3A, %get3A_0] : memref<1024x128xf32, #tpu.memory_space<vmem>>, vector<1024x128xf32>
    %get3A_2 = arith.constant 0 : index
    %get3A_3 = arith.constant 0 : index
    %get3A_4 = vector.load %arg2[%get3A_2, %get3A_3] : memref<128x256xf32, #tpu.memory_space<vmem>>, vector<128x256xf32>
    %dot_general3A = arith.constant dense<0.000000e+00> : vector<1024x256xf32>
    %dot_general3A_5 = tpu.matmul %get3A_1, %get3A_4, %dot_general3A {dimension_numbers = #tpu.dot_dimension_numbers<[1], [0], [0], [1], [0, 0, 1, 1], [], []>, transpose_lhs_hint = false} : vector<1024x128xf32>, vector<128x256xf32>, vector<1024x256xf32> -> vector<1024x256xf32>
    %get3A_6 = arith.constant 0 : index
    %get3A_7 = arith.constant 0 : index
    %get3A_8 = vector.load %arg3[%get3A_6, %get3A_7] : memref<1x256xf32, #tpu.memory_space<vmem>>, vector<1x256xf32>
    %add3A = vector.broadcast %get3A_8 : vector<1x256xf32> to vector<1024x256xf32>
    %add3A_9 = arith.addf %dot_general3A_5, %add3A : vector<1024x256xf32>
    %max3A = arith.constant 0.000000e+00 : f32
    %max3A_10 = vector.broadcast %max3A : f32 to vector<1024x256xf32>
    %max3A_11 = arith.maximumf %add3A_9, %max3A_10 : vector<1024x256xf32>
    %get3A_12 = arith.constant 0 : index
    %get3A_13 = arith.constant 0 : index
    %get3A_14 = vector.load %arg4[%get3A_12, %get3A_13] : memref<256x256xf32, #tpu.memory_space<vmem>>, vector<256x256xf32>
    %dot_general3A_15 = arith.constant dense<0.000000e+00> : vector<1024x256xf32>
    %dot_general3A_16 = tpu.matmul %max3A_11, %get3A_14, %dot_general3A_15 {dimension_numbers = #tpu.dot_dimension_numbers<[1], [0], [0], [1], [0, 0, 1, 1], [], []>, transpose_lhs_hint = false} : vector<1024x256xf32>, vector<256x256xf32>, vector<1024x256xf32> -> vector<1024x256xf32>
    %get3A_17 = arith.constant 0 : index
    %get3A_18 = arith.constant 0 : index
    %get3A_19 = vector.load %arg5[%get3A_17, %get3A_18] : memref<1x256xf32, #tpu.memory_space<vmem>>, vector<1x256xf32>
    %add3A_20 = vector.broadcast %get3A_19 : vector<1x256xf32> to vector<1024x256xf32>
    %add3A_21 = arith.addf %dot_general3A_16, %add3A_20 : vector<1024x256xf32>
    %max3A_22 = arith.constant 0.000000e+00 : f32
    %max3A_23 = vector.broadcast %max3A_22 : f32 to vector<1024x256xf32>
    %max3A_24 = arith.maximumf %add3A_21, %max3A_23 : vector<1024x256xf32>
    %get3A_25 = arith.constant 0 : index
    %get3A_26 = arith.constant 0 : index
    %get3A_27 = vector.load %arg6[%get3A_25, %get3A_26] : memref<256x32xf32, #tpu.memory_space<vmem>>, vector<256x32xf32>
    %dot_general3A_28 = arith.constant dense<0.000000e+00> : vector<1024x32xf32>
    %dot_general3A_29 = tpu.matmul %max3A_24, %get3A_27, %dot_general3A_28 {dimension_numbers = #tpu.dot_dimension_numbers<[1], [0], [0], [1], [0, 0, 1, 1], [], []>, transpose_lhs_hint = false} : vector<1024x256xf32>, vector<256x32xf32>, vector<1024x32xf32> -> vector<1024x32xf32>
    %get3A_30 = arith.constant 0 : index
    %get3A_31 = arith.constant 0 : index
    %get3A_32 = vector.load %arg7[%get3A_30, %get3A_31] : memref<1x32xf32, #tpu.memory_space<vmem>>, vector<1x32xf32>
    %add3A_33 = vector.broadcast %get3A_32 : vector<1x32xf32> to vector<1024x32xf32>
    %add3A_34 = arith.addf %dot_general3A_29, %add3A_33 : vector<1024x32xf32>
    %tanh3A = math.tanh %add3A_34 : vector<1024x32xf32>
    %get3A_35 = arith.constant 0 : index
    %get3A_36 = arith.constant 0 : index
    %get3A_37 = vector.load %arg1[%get3A_35, %get3A_36] : memref<1024x32xf32, #tpu.memory_space<vmem>>, vector<1024x32xf32>
    %mul3A = arith.constant 1.000000e-01 : f32
    %mul3A_38 = vector.broadcast %mul3A : f32 to vector<1024x32xf32>
    %mul3A_39 = arith.mulf %get3A_37, %mul3A_38 : vector<1024x32xf32>
    %jit3A = arith.constant -5.000000e-01 : f32
    %jit3A_40 = arith.constant 5.000000e-01 : f32
    %max3A_41 = vector.broadcast %jit3A : f32 to vector<1024x32xf32>
    %max3A_42 = arith.maximumf %max3A_41, %mul3A_39 : vector<1024x32xf32>
    %min3A = vector.broadcast %jit3A_40 : f32 to vector<1024x32xf32>
    %min3A_43 = arith.minimumf %min3A, %max3A_42 : vector<1024x32xf32>
    %add3A_44 = arith.addf %tanh3A, %min3A_43 : vector<1024x32xf32>
    %jit3A_45 = arith.constant -1.000000e+00 : f32
    %jit3A_46 = arith.constant 1.000000e+00 : f32
    %max3A_47 = vector.broadcast %jit3A_45 : f32 to vector<1024x32xf32>
    %max3A_48 = arith.maximumf %max3A_47, %add3A_44 : vector<1024x32xf32>
    %min3A_49 = vector.broadcast %jit3A_46 : f32 to vector<1024x32xf32>
    %min3A_50 = arith.minimumf %min3A_49, %max3A_48 : vector<1024x32xf32>
    %swap3A = arith.constant 0 : index
    %swap3A_51 = arith.constant 0 : index
    %swap3A_52 = vector.load %arg8[%swap3A, %swap3A_51] : memref<1024x32xf32, #tpu.memory_space<vmem>>, vector<1024x32xf32>
    tpu.vector_store %arg8[%swap3A, %swap3A_51], %min3A_50 {strides = array<i32>} : memref<1024x32xf32, #tpu.memory_space<vmem>>, vector<1024x32xf32>,
    return
  }
}

module attributes {stable_mosaic.version = 14 : i64} {
  func.func @_dist_body(%arg0: i32, %arg1: memref<1024x32xf32, #tpu.memory_space<vmem>>, %arg2: memref<1024x1xf32, #tpu.memory_space<vmem>>, %arg3: memref<2048x32xf32, #tpu.memory_space<vmem>>, %arg4: memref<1x2048xf32, #tpu.memory_space<vmem>>, %arg5: memref<1024x16x128xf32, #tpu.memory_space<vmem>>, %arg6: memref<1024x128xf32, #tpu.memory_space<vmem>>) attributes {dimension_semantics = [#tpu.dimension_semantics<parallel>], iteration_bounds = array<i64: 50>, scalar_prefetch = 0 : i64, scratch_operands = 0 : i64, tpu.core_type = #tpu.core_type<tc>, window_params = [{pipeline_mode = #tpu.pipeline_mode<synchronous>, transform_indices = @transform_0, window_bounds = array<i64: 1024, 32>}, {pipeline_mode = #tpu.pipeline_mode<synchronous>, transform_indices = @transform_1, window_bounds = array<i64: 1024, 1>}, {transform_indices = @transform_2, window_bounds = array<i64: 2048, 32>}, {transform_indices = @transform_3, window_bounds = array<i64: 1, 2048>}, {transform_indices = @transform_4, window_bounds = array<i64: 1024, 16, 128>}, {transform_indices = @transform_5, window_bounds = array<i64: 1024, 128>}]} {
    %get3A = arith.constant 0 : index
    %get3A_0 = arith.constant 0 : index
    %get3A_1 = vector.load %arg1[%get3A, %get3A_0] : memref<1024x32xf32, #tpu.memory_space<vmem>>, vector<1024x32xf32>
    %get3A_2 = arith.constant 0 : index
    %get3A_3 = arith.constant 0 : index
    %get3A_4 = vector.load %arg3[%get3A_2, %get3A_3] : memref<2048x32xf32, #tpu.memory_space<vmem>>, vector<2048x32xf32>
    %transpose3A = tpu.transpose %get3A_4, [1, 0] : vector<2048x32xf32> -> vector<32x2048xf32>
    %dot_general3A = arith.constant dense<0.000000e+00> : vector<1024x2048xf32>
    %dot_general3A_5 = tpu.matmul %get3A_1, %transpose3A, %dot_general3A {dimension_numbers = #tpu.dot_dimension_numbers<[1], [0], [0], [1], [0, 0, 1, 1], [], []>, transpose_lhs_hint = false} : vector<1024x32xf32>, vector<32x2048xf32>, vector<1024x2048xf32> -> vector<1024x2048xf32>
    %get3A_6 = arith.constant 0 : index
    %get3A_7 = arith.constant 0 : index
    %get3A_8 = vector.load %arg2[%get3A_6, %get3A_7] : memref<1024x1xf32, #tpu.memory_space<vmem>>, vector<1024x1xf32>
    %mul3A = arith.constant 2.000000e+00 : f32
    %mul3A_9 = vector.broadcast %mul3A : f32 to vector<1024x2048xf32>
    %mul3A_10 = arith.mulf %mul3A_9, %dot_general3A_5 : vector<1024x2048xf32>
    %sub3A = vector.broadcast %get3A_8 : vector<1024x1xf32> to vector<1024x2048xf32>
    %sub3A_11 = arith.subf %sub3A, %mul3A_10 : vector<1024x2048xf32>
    %get3A_12 = arith.constant 0 : index
    %get3A_13 = arith.constant 0 : index
    %get3A_14 = vector.load %arg4[%get3A_12, %get3A_13] : memref<1x2048xf32, #tpu.memory_space<vmem>>, vector<1x2048xf32>
    %add3A = vector.broadcast %get3A_14 : vector<1x2048xf32> to vector<1024x2048xf32>
    %add3A_15 = arith.addf %sub3A_11, %add3A : vector<1024x2048xf32>
    %reshape3A = vector.shape_cast %add3A_15 : vector<1024x2048xf32> to vector<1024x16x128xf32>
    %swap3A = arith.constant 0 : index
    %swap3A_16 = arith.constant 0 : index
    %swap3A_17 = arith.constant 0 : index
    %swap3A_18 = vector.load %arg5[%swap3A, %swap3A_16, %swap3A_17] : memref<1024x16x128xf32, #tpu.memory_space<vmem>>, vector<1024x16x128xf32>
    tpu.vector_store %arg5[%swap3A, %swap3A_16, %swap3A_17], %reshape3A {strides = array<i32>} : memref<1024x16x128xf32, #tpu.memory_space<vmem>>, vector<1024x16x128xf32>,
    %reduce_min3A = arith.constant dense<0x7F800000> : vector<1024x128xf32>
    %reduce_min3A_19 = vector.multi_reduction <minimumf>, %reshape3A, %reduce_min3A [1] : vector<1024x16x128xf32> to vector<1024x128xf32>
    %swap3A_20 = arith.constant 0 : index
    %swap3A_21 = arith.constant 0 : index
    %swap3A_22 = vector.load %arg6[%swap3A_20, %swap3A_21] : memref<1024x128xf32, #tpu.memory_space<vmem>>, vector<1024x128xf32>
    tpu.vector_store %arg6[%swap3A_20, %swap3A_21], %reduce_min3A_19 {strides = array<i32>} : memref<1024x128xf32, #tpu.memory_space<vmem>>, vector<1024x128xf32>,
    return
  }
  func.func @transform_0(%arg0: i32) -> (i32, i32) {
    %c0_i32 = arith.constant 0 : i32
    %c0_i32_0 = arith.constant 0 : i32
    %c0_i32_1 = arith.constant 0 : i32
    return %c0_i32, %c0_i32_0 : i32, i32
  }
  func.func @transform_1(%arg0: i32) -> (i32, i32) {
    %c0_i32 = arith.constant 0 : i32
    %c0_i32_0 = arith.constant 0 : i32
    %c0_i32_1 = arith.constant 0 : i32
    return %c0_i32, %c0_i32_0 : i32, i32
  }
  func.func @transform_2(%arg0: i32) -> (i32, i32) {
    %c0_i32 = arith.constant 0 : i32
    %c0_i32_0 = arith.constant 0 : i32
    return %arg0, %c0_i32 : i32, i32
  }
  func.func @transform_3(%arg0: i32) -> (i32, i32) {
    %c0_i32 = arith.constant 0 : i32
    %c0_i32_0 = arith.constant 0 : i32
    return %c0_i32, %arg0 : i32, i32
  }
  func.func @transform_4(%arg0: i32) -> (i32, i32, i32) {
    %c0_i32 = arith.constant 0 : i32
    %c0_i32_0 = arith.constant 0 : i32
    %c0_i32_1 = arith.constant 0 : i32
    return %c0_i32, %c0_i32_0, %arg0 : i32, i32, i32
  }
  func.func @transform_5(%arg0: i32) -> (i32, i32) {
    %c0_i32 = arith.constant 0 : i32
    %c0_i32_0 = arith.constant 0 : i32
    return %c0_i32, %arg0 : i32, i32
  }
}

module attributes {stable_mosaic.version = 14 : i64} {
  func.func @_select_body(%arg0: i32, %arg1: memref<1024x3200xf32, #tpu.memory_space<vmem>>, %arg2: memref<1024x128xi32, #tpu.memory_space<vmem>>) attributes {dimension_semantics = [#tpu.dimension_semantics<parallel>], iteration_bounds = array<i64: 1>, scalar_prefetch = 0 : i64, scratch_operands = 0 : i64, tpu.core_type = #tpu.core_type<tc>, window_params = [{transform_indices = @transform_0, window_bounds = array<i64: 1024, 3200>}, {transform_indices = @transform_1, window_bounds = array<i64: 1024, 128>}]} {
    %get3A = arith.constant 0 : index
    %get3A_0 = arith.constant 0 : index
    %get3A_1 = vector.load %arg1[%get3A, %get3A_0] : memref<1024x3200xf32, #tpu.memory_space<vmem>>, vector<1024x3200xf32>
    %iota3A = tpu.iota {dimensions = array<i32: 1>} : vector<1024x3200xi32>
    %iota3A_2 = tpu.iota {dimensions = array<i32: 1>} : vector<1024x128xi32>
    %broadcast_in_dim3A = arith.constant 0 : i32
    %broadcast_in_dim3A_3 = vector.broadcast %broadcast_in_dim3A : i32 to vector<1024x128xi32>
    %scan3A = arith.constant 0 : i32
    %scan3A_4 = arith.constant 48 : i32
    %scan3A_5 = arith.addi %scan3A, %scan3A_4 : i32
    %scan3A_6 = arith.constant 4 : i32
    %scan3A_7:2 = scf.for %scan3A_53 = %scan3A to %scan3A_5 step %scan3A_6 iter_args(%scan3A_54 = %get3A_1, %scan3A_55 = %broadcast_in_dim3A_3) -> (vector<1024x3200xf32>, vector<1024x128xi32>)  : i32 {
      %reduce_min3A_56 = arith.constant dense<0x7F800000> : vector<1024xf32>
      %reduce_min3A_57 = vector.multi_reduction <minimumf>, %scan3A_54, %reduce_min3A_56 [1] : vector<1024x3200xf32> to vector<1024xf32>
      %broadcast_in_dim3A_58 = vector.shape_cast %reduce_min3A_57 : vector<1024xf32> to vector<1024x1xf32>
      %eq3A_59 = vector.broadcast %broadcast_in_dim3A_58 : vector<1024x1xf32> to vector<1024x3200xf32>
      %eq3A_60 = arith.cmpf oeq, %scan3A_54, %eq3A_59 : vector<1024x3200xf32>
      %jit3A_61 = arith.constant 3200 : i32
      %broadcast_in_dim3A_62 = vector.broadcast %jit3A_61 : i32 to vector<1024x3200xi32>
      %select_n3A_63 = arith.select %eq3A_60, %iota3A, %broadcast_in_dim3A_62 : vector<1024x3200xi1>, vector<1024x3200xi32>
      %reduce_min3A_64 = arith.constant dense<2147483647> : vector<1024xi32>
      %reduce_min3A_65 = vector.multi_reduction <minsi>, %select_n3A_63, %reduce_min3A_64 [1] : vector<1024x3200xi32> to vector<1024xi32>
      %broadcast_in_dim3A_66 = vector.shape_cast %reduce_min3A_65 : vector<1024xi32> to vector<1024x1xi32>
      %eq3A_67 = vector.broadcast %broadcast_in_dim3A_66 : vector<1024x1xi32> to vector<1024x3200xi32>
      %eq3A_68 = arith.cmpi eq, %iota3A, %eq3A_67 : vector<1024x3200xi32>
      %jit3A_69 = arith.constant 0x7F800000 : f32
      %broadcast_in_dim3A_70 = vector.broadcast %jit3A_69 : f32 to vector<1024x3200xf32>
      %select_n3A_71 = arith.select %eq3A_68, %broadcast_in_dim3A_70, %scan3A_54 : vector<1024x3200xi1>, vector<1024x3200xf32>
      %eq3A_72 = vector.broadcast %scan3A_53 : i32 to vector<1024x128xi32>
      %eq3A_73 = arith.cmpi eq, %iota3A_2, %eq3A_72 : vector<1024x128xi32>
      %broadcast_in_dim3A_74 = vector.shape_cast %broadcast_in_dim3A_66 : vector<1024x1xi32> to vector<1024x1xi32>
      %broadcast_in_dim3A_75 = vector.broadcast %broadcast_in_dim3A_74 : vector<1024x1xi32> to vector<1024x128xi32>
      %select_n3A_76 = arith.select %eq3A_73, %broadcast_in_dim3A_75, %scan3A_55 : vector<1024x128xi1>, vector<1024x128xi32>
      %scan3A_77 = arith.constant 1 : i32
      %scan3A_78 = arith.addi %scan3A_53, %scan3A_77 : i32
      %reduce_min3A_79 = arith.constant dense<0x7F800000> : vector<1024xf32>
      %reduce_min3A_80 = vector.multi_reduction <minimumf>, %select_n3A_71, %reduce_min3A_79 [1] : vector<1024x3200xf32> to vector<1024xf32>
      %broadcast_in_dim3A_81 = vector.shape_cast %reduce_min3A_80 : vector<1024xf32> to vector<1024x1xf32>
      %eq3A_82 = vector.broadcast %broadcast_in_dim3A_81 : vector<1024x1xf32> to vector<1024x3200xf32>
      %eq3A_83 = arith.cmpf oeq, %select_n3A_71, %eq3A_82 : vector<1024x3200xf32>
      %jit3A_84 = arith.constant 3200 : i32
      %broadcast_in_dim3A_85 = vector.broadcast %jit3A_84 : i32 to vector<1024x3200xi32>
      %select_n3A_86 = arith.select %eq3A_83, %iota3A, %broadcast_in_dim3A_85 : vector<1024x3200xi1>, vector<1024x3200xi32>
      %reduce_min3A_87 = arith.constant dense<2147483647> : vector<1024xi32>
      %reduce_min3A_88 = vector.multi_reduction <minsi>, %select_n3A_86, %reduce_min3A_87 [1] : vector<1024x3200xi32> to vector<1024xi32>
      %broadcast_in_dim3A_89 = vector.shape_cast %reduce_min3A_88 : vector<1024xi32> to vector<1024x1xi32>
      %eq3A_90 = vector.broadcast %broadcast_in_dim3A_89 : vector<1024x1xi32> to vector<1024x3200xi32>
      %eq3A_91 = arith.cmpi eq, %iota3A, %eq3A_90 : vector<1024x3200xi32>
      %jit3A_92 = arith.constant 0x7F800000 : f32
      %broadcast_in_dim3A_93 = vector.broadcast %jit3A_92 : f32 to vector<1024x3200xf32>
      %select_n3A_94 = arith.select %eq3A_91, %broadcast_in_dim3A_93, %select_n3A_71 : vector<1024x3200xi1>, vector<1024x3200xf32>
      %eq3A_95 = vector.broadcast %scan3A_78 : i32 to vector<1024x128xi32>
      %eq3A_96 = arith.cmpi eq, %iota3A_2, %eq3A_95 : vector<1024x128xi32>
      %broadcast_in_dim3A_97 = vector.shape_cast %broadcast_in_dim3A_89 : vector<1024x1xi32> to vector<1024x1xi32>
      %broadcast_in_dim3A_98 = vector.broadcast %broadcast_in_dim3A_97 : vector<1024x1xi32> to vector<1024x128xi32>
      %select_n3A_99 = arith.select %eq3A_96, %broadcast_in_dim3A_98, %select_n3A_76 : vector<1024x128xi1>, vector<1024x128xi32>
      %scan3A_100 = arith.constant 2 : i32
      %scan3A_101 = arith.addi %scan3A_53, %scan3A_100 : i32
      %reduce_min3A_102 = arith.constant dense<0x7F800000> : vector<1024xf32>
      %reduce_min3A_103 = vector.multi_reduction <minimumf>, %select_n3A_94, %reduce_min3A_102 [1] : vector<1024x3200xf32> to vector<1024xf32>
      %broadcast_in_dim3A_104 = vector.shape_cast %reduce_min3A_103 : vector<1024xf32> to vector<1024x1xf32>
      %eq3A_105 = vector.broadcast %broadcast_in_dim3A_104 : vector<1024x1xf32> to vector<1024x3200xf32>
      %eq3A_106 = arith.cmpf oeq, %select_n3A_94, %eq3A_105 : vector<1024x3200xf32>
      %jit3A_107 = arith.constant 3200 : i32
      %broadcast_in_dim3A_108 = vector.broadcast %jit3A_107 : i32 to vector<1024x3200xi32>
      %select_n3A_109 = arith.select %eq3A_106, %iota3A, %broadcast_in_dim3A_108 : vector<1024x3200xi1>, vector<1024x3200xi32>
      %reduce_min3A_110 = arith.constant dense<2147483647> : vector<1024xi32>
      %reduce_min3A_111 = vector.multi_reduction <minsi>, %select_n3A_109, %reduce_min3A_110 [1] : vector<1024x3200xi32> to vector<1024xi32>
      %broadcast_in_dim3A_112 = vector.shape_cast %reduce_min3A_111 : vector<1024xi32> to vector<1024x1xi32>
      %eq3A_113 = vector.broadcast %broadcast_in_dim3A_112 : vector<1024x1xi32> to vector<1024x3200xi32>
      %eq3A_114 = arith.cmpi eq, %iota3A, %eq3A_113 : vector<1024x3200xi32>
      %jit3A_115 = arith.constant 0x7F800000 : f32
      %broadcast_in_dim3A_116 = vector.broadcast %jit3A_115 : f32 to vector<1024x3200xf32>
      %select_n3A_117 = arith.select %eq3A_114, %broadcast_in_dim3A_116, %select_n3A_94 : vector<1024x3200xi1>, vector<1024x3200xf32>
      %eq3A_118 = vector.broadcast %scan3A_101 : i32 to vector<1024x128xi32>
      %eq3A_119 = arith.cmpi eq, %iota3A_2, %eq3A_118 : vector<1024x128xi32>
      %broadcast_in_dim3A_120 = vector.shape_cast %broadcast_in_dim3A_112 : vector<1024x1xi32> to vector<1024x1xi32>
      %broadcast_in_dim3A_121 = vector.broadcast %broadcast_in_dim3A_120 : vector<1024x1xi32> to vector<1024x128xi32>
      %select_n3A_122 = arith.select %eq3A_119, %broadcast_in_dim3A_121, %select_n3A_99 : vector<1024x128xi1>, vector<1024x128xi32>
      %scan3A_123 = arith.constant 3 : i32
      %scan3A_124 = arith.addi %scan3A_53, %scan3A_123 : i32
      %reduce_min3A_125 = arith.constant dense<0x7F800000> : vector<1024xf32>
      %reduce_min3A_126 = vector.multi_reduction <minimumf>, %select_n3A_117, %reduce_min3A_125 [1] : vector<1024x3200xf32> to vector<1024xf32>
      %broadcast_in_dim3A_127 = vector.shape_cast %reduce_min3A_126 : vector<1024xf32> to vector<1024x1xf32>
      %eq3A_128 = vector.broadcast %broadcast_in_dim3A_127 : vector<1024x1xf32> to vector<1024x3200xf32>
      %eq3A_129 = arith.cmpf oeq, %select_n3A_117, %eq3A_128 : vector<1024x3200xf32>
      %jit3A_130 = arith.constant 3200 : i32
      %broadcast_in_dim3A_131 = vector.broadcast %jit3A_130 : i32 to vector<1024x3200xi32>
      %select_n3A_132 = arith.select %eq3A_129, %iota3A, %broadcast_in_dim3A_131 : vector<1024x3200xi1>, vector<1024x3200xi32>
      %reduce_min3A_133 = arith.constant dense<2147483647> : vector<1024xi32>
      %reduce_min3A_134 = vector.multi_reduction <minsi>, %select_n3A_132, %reduce_min3A_133 [1] : vector<1024x3200xi32> to vector<1024xi32>
      %broadcast_in_dim3A_135 = vector.shape_cast %reduce_min3A_134 : vector<1024xi32> to vector<1024x1xi32>
      %eq3A_136 = vector.broadcast %broadcast_in_dim3A_135 : vector<1024x1xi32> to vector<1024x3200xi32>
      %eq3A_137 = arith.cmpi eq, %iota3A, %eq3A_136 : vector<1024x3200xi32>
      %jit3A_138 = arith.constant 0x7F800000 : f32
      %broadcast_in_dim3A_139 = vector.broadcast %jit3A_138 : f32 to vector<1024x3200xf32>
      %select_n3A_140 = arith.select %eq3A_137, %broadcast_in_dim3A_139, %select_n3A_117 : vector<1024x3200xi1>, vector<1024x3200xf32>
      %eq3A_141 = vector.broadcast %scan3A_124 : i32 to vector<1024x128xi32>
      %eq3A_142 = arith.cmpi eq, %iota3A_2, %eq3A_141 : vector<1024x128xi32>
      %broadcast_in_dim3A_143 = vector.shape_cast %broadcast_in_dim3A_135 : vector<1024x1xi32> to vector<1024x1xi32>
      %broadcast_in_dim3A_144 = vector.broadcast %broadcast_in_dim3A_143 : vector<1024x1xi32> to vector<1024x128xi32>
      %select_n3A_145 = arith.select %eq3A_142, %broadcast_in_dim3A_144, %select_n3A_122 : vector<1024x128xi1>, vector<1024x128xi32>
      scf.yield %select_n3A_140, %select_n3A_145 : vector<1024x3200xf32>, vector<1024x128xi32>
    }
    %scan3A_8 = arith.constant 48 : i32
    %scan3A_9 = arith.addi %scan3A, %scan3A_8 : i32
    %reduce_min3A = arith.constant dense<0x7F800000> : vector<1024xf32>
    %reduce_min3A_10 = vector.multi_reduction <minimumf>, %scan3A_7#0, %reduce_min3A [1] : vector<1024x3200xf32> to vector<1024xf32>
    %broadcast_in_dim3A_11 = vector.shape_cast %reduce_min3A_10 : vector<1024xf32> to vector<1024x1xf32>
    %eq3A = vector.broadcast %broadcast_in_dim3A_11 : vector<1024x1xf32> to vector<1024x3200xf32>
    %eq3A_12 = arith.cmpf oeq, %scan3A_7#0, %eq3A : vector<1024x3200xf32>
    %jit3A = arith.constant 3200 : i32
    %broadcast_in_dim3A_13 = vector.broadcast %jit3A : i32 to vector<1024x3200xi32>
    %select_n3A = arith.select %eq3A_12, %iota3A, %broadcast_in_dim3A_13 : vector<1024x3200xi1>, vector<1024x3200xi32>
    %reduce_min3A_14 = arith.constant dense<2147483647> : vector<1024xi32>
    %reduce_min3A_15 = vector.multi_reduction <minsi>, %select_n3A, %reduce_min3A_14 [1] : vector<1024x3200xi32> to vector<1024xi32>
    %broadcast_in_dim3A_16 = vector.shape_cast %reduce_min3A_15 : vector<1024xi32> to vector<1024x1xi32>
    %eq3A_17 = vector.broadcast %broadcast_in_dim3A_16 : vector<1024x1xi32> to vector<1024x3200xi32>
    %eq3A_18 = arith.cmpi eq, %iota3A, %eq3A_17 : vector<1024x3200xi32>
    %jit3A_19 = arith.constant 0x7F800000 : f32
    %broadcast_in_dim3A_20 = vector.broadcast %jit3A_19 : f32 to vector<1024x3200xf32>
    %select_n3A_21 = arith.select %eq3A_18, %broadcast_in_dim3A_20, %scan3A_7#0 : vector<1024x3200xi1>, vector<1024x3200xf32>
    %eq3A_22 = vector.broadcast %scan3A_9 : i32 to vector<1024x128xi32>
    %eq3A_23 = arith.cmpi eq, %iota3A_2, %eq3A_22 : vector<1024x128xi32>
    %broadcast_in_dim3A_24 = vector.shape_cast %broadcast_in_dim3A_16 : vector<1024x1xi32> to vector<1024x1xi32>
    %broadcast_in_dim3A_25 = vector.broadcast %broadcast_in_dim3A_24 : vector<1024x1xi32> to vector<1024x128xi32>
    %select_n3A_26 = arith.select %eq3A_23, %broadcast_in_dim3A_25, %scan3A_7#1 : vector<1024x128xi1>, vector<1024x128xi32>
    %scan3A_27 = arith.constant 49 : i32
    %scan3A_28 = arith.addi %scan3A, %scan3A_27 : i32
    %reduce_min3A_29 = arith.constant dense<0x7F800000> : vector<1024xf32>
    %reduce_min3A_30 = vector.multi_reduction <minimumf>, %select_n3A_21, %reduce_min3A_29 [1] : vector<1024x3200xf32> to vector<1024xf32>
    %broadcast_in_dim3A_31 = vector.shape_cast %reduce_min3A_30 : vector<1024xf32> to vector<1024x1xf32>
    %eq3A_32 = vector.broadcast %broadcast_in_dim3A_31 : vector<1024x1xf32> to vector<1024x3200xf32>
    %eq3A_33 = arith.cmpf oeq, %select_n3A_21, %eq3A_32 : vector<1024x3200xf32>
    %jit3A_34 = arith.constant 3200 : i32
    %broadcast_in_dim3A_35 = vector.broadcast %jit3A_34 : i32 to vector<1024x3200xi32>
    %select_n3A_36 = arith.select %eq3A_33, %iota3A, %broadcast_in_dim3A_35 : vector<1024x3200xi1>, vector<1024x3200xi32>
    %reduce_min3A_37 = arith.constant dense<2147483647> : vector<1024xi32>
    %reduce_min3A_38 = vector.multi_reduction <minsi>, %select_n3A_36, %reduce_min3A_37 [1] : vector<1024x3200xi32> to vector<1024xi32>
    %broadcast_in_dim3A_39 = vector.shape_cast %reduce_min3A_38 : vector<1024xi32> to vector<1024x1xi32>
    %eq3A_40 = vector.broadcast %broadcast_in_dim3A_39 : vector<1024x1xi32> to vector<1024x3200xi32>
    %eq3A_41 = arith.cmpi eq, %iota3A, %eq3A_40 : vector<1024x3200xi32>
    %jit3A_42 = arith.constant 0x7F800000 : f32
    %broadcast_in_dim3A_43 = vector.broadcast %jit3A_42 : f32 to vector<1024x3200xf32>
    %select_n3A_44 = arith.select %eq3A_41, %broadcast_in_dim3A_43, %select_n3A_21 : vector<1024x3200xi1>, vector<1024x3200xf32>
    %eq3A_45 = vector.broadcast %scan3A_28 : i32 to vector<1024x128xi32>
    %eq3A_46 = arith.cmpi eq, %iota3A_2, %eq3A_45 : vector<1024x128xi32>
    %broadcast_in_dim3A_47 = vector.shape_cast %broadcast_in_dim3A_39 : vector<1024x1xi32> to vector<1024x1xi32>
    %broadcast_in_dim3A_48 = vector.broadcast %broadcast_in_dim3A_47 : vector<1024x1xi32> to vector<1024x128xi32>
    %select_n3A_49 = arith.select %eq3A_46, %broadcast_in_dim3A_48, %select_n3A_26 : vector<1024x128xi1>, vector<1024x128xi32>
    %scan3A_50 = arith.constant 50 : i32
    %swap3A = arith.constant 0 : index
    %swap3A_51 = arith.constant 0 : index
    %swap3A_52 = vector.load %arg2[%swap3A, %swap3A_51] : memref<1024x128xi32, #tpu.memory_space<vmem>>, vector<1024x128xi32>
    tpu.vector_store %arg2[%swap3A, %swap3A_51], %select_n3A_49 {strides = array<i32>} : memref<1024x128xi32, #tpu.memory_space<vmem>>, vector<1024x128xi32>,
    return
  }
  func.func @transform_0(%arg0: i32) -> (i32, i32) {
    %c0_i32 = arith.constant 0 : i32
    %c0_i32_0 = arith.constant 0 : i32
    return %arg0, %c0_i32 : i32, i32
  }
  func.func @transform_1(%arg0: i32) -> (i32, i32) {
    %c0_i32 = arith.constant 0 : i32
    %c0_i32_0 = arith.constant 0 : i32
    return %arg0, %c0_i32 : i32, i32
  }
}

module attributes {stable_mosaic.version = 14 : i64} {
  func.func @_select_body(%arg0: i32, %arg1: memref<1024x1600xf32, #tpu.memory_space<vmem>>, %arg2: memref<1024x128xi32, #tpu.memory_space<vmem>>) attributes {dimension_semantics = [#tpu.dimension_semantics<parallel>], iteration_bounds = array<i64: 1>, scalar_prefetch = 0 : i64, scratch_operands = 0 : i64, tpu.core_type = #tpu.core_type<tc>, window_params = [{transform_indices = @transform_0, window_bounds = array<i64: 1024, 1600>}, {transform_indices = @transform_1, window_bounds = array<i64: 1024, 128>}]} {
    %get3A = arith.constant 0 : index
    %get3A_0 = arith.constant 0 : index
    %get3A_1 = vector.load %arg1[%get3A, %get3A_0] : memref<1024x1600xf32, #tpu.memory_space<vmem>>, vector<1024x1600xf32>
    %iota3A = tpu.iota {dimensions = array<i32: 1>} : vector<1024x1600xi32>
    %iota3A_2 = tpu.iota {dimensions = array<i32: 1>} : vector<1024x128xi32>
    %broadcast_in_dim3A = arith.constant 0 : i32
    %broadcast_in_dim3A_3 = vector.broadcast %broadcast_in_dim3A : i32 to vector<1024x128xi32>
    %scan3A = arith.constant 0 : i32
    %scan3A_4 = arith.constant 48 : i32
    %scan3A_5 = arith.addi %scan3A, %scan3A_4 : i32
    %scan3A_6 = arith.constant 4 : i32
    %scan3A_7:2 = scf.for %scan3A_53 = %scan3A to %scan3A_5 step %scan3A_6 iter_args(%scan3A_54 = %get3A_1, %scan3A_55 = %broadcast_in_dim3A_3) -> (vector<1024x1600xf32>, vector<1024x128xi32>)  : i32 {
      %reduce_min3A_56 = arith.constant dense<0x7F800000> : vector<1024xf32>
      %reduce_min3A_57 = vector.multi_reduction <minimumf>, %scan3A_54, %reduce_min3A_56 [1] : vector<1024x1600xf32> to vector<1024xf32>
      %broadcast_in_dim3A_58 = vector.shape_cast %reduce_min3A_57 : vector<1024xf32> to vector<1024x1xf32>
      %eq3A_59 = vector.broadcast %broadcast_in_dim3A_58 : vector<1024x1xf32> to vector<1024x1600xf32>
      %eq3A_60 = arith.cmpf oeq, %scan3A_54, %eq3A_59 : vector<1024x1600xf32>
      %jit3A_61 = arith.constant 1600 : i32
      %broadcast_in_dim3A_62 = vector.broadcast %jit3A_61 : i32 to vector<1024x1600xi32>
      %select_n3A_63 = arith.select %eq3A_60, %iota3A, %broadcast_in_dim3A_62 : vector<1024x1600xi1>, vector<1024x1600xi32>
      %reduce_min3A_64 = arith.constant dense<2147483647> : vector<1024xi32>
      %reduce_min3A_65 = vector.multi_reduction <minsi>, %select_n3A_63, %reduce_min3A_64 [1] : vector<1024x1600xi32> to vector<1024xi32>
      %broadcast_in_dim3A_66 = vector.shape_cast %reduce_min3A_65 : vector<1024xi32> to vector<1024x1xi32>
      %eq3A_67 = vector.broadcast %broadcast_in_dim3A_66 : vector<1024x1xi32> to vector<1024x1600xi32>
      %eq3A_68 = arith.cmpi eq, %iota3A, %eq3A_67 : vector<1024x1600xi32>
      %jit3A_69 = arith.constant 0x7F800000 : f32
      %broadcast_in_dim3A_70 = vector.broadcast %jit3A_69 : f32 to vector<1024x1600xf32>
      %select_n3A_71 = arith.select %eq3A_68, %broadcast_in_dim3A_70, %scan3A_54 : vector<1024x1600xi1>, vector<1024x1600xf32>
      %eq3A_72 = vector.broadcast %scan3A_53 : i32 to vector<1024x128xi32>
      %eq3A_73 = arith.cmpi eq, %iota3A_2, %eq3A_72 : vector<1024x128xi32>
      %broadcast_in_dim3A_74 = vector.shape_cast %broadcast_in_dim3A_66 : vector<1024x1xi32> to vector<1024x1xi32>
      %broadcast_in_dim3A_75 = vector.broadcast %broadcast_in_dim3A_74 : vector<1024x1xi32> to vector<1024x128xi32>
      %select_n3A_76 = arith.select %eq3A_73, %broadcast_in_dim3A_75, %scan3A_55 : vector<1024x128xi1>, vector<1024x128xi32>
      %scan3A_77 = arith.constant 1 : i32
      %scan3A_78 = arith.addi %scan3A_53, %scan3A_77 : i32
      %reduce_min3A_79 = arith.constant dense<0x7F800000> : vector<1024xf32>
      %reduce_min3A_80 = vector.multi_reduction <minimumf>, %select_n3A_71, %reduce_min3A_79 [1] : vector<1024x1600xf32> to vector<1024xf32>
      %broadcast_in_dim3A_81 = vector.shape_cast %reduce_min3A_80 : vector<1024xf32> to vector<1024x1xf32>
      %eq3A_82 = vector.broadcast %broadcast_in_dim3A_81 : vector<1024x1xf32> to vector<1024x1600xf32>
      %eq3A_83 = arith.cmpf oeq, %select_n3A_71, %eq3A_82 : vector<1024x1600xf32>
      %jit3A_84 = arith.constant 1600 : i32
      %broadcast_in_dim3A_85 = vector.broadcast %jit3A_84 : i32 to vector<1024x1600xi32>
      %select_n3A_86 = arith.select %eq3A_83, %iota3A, %broadcast_in_dim3A_85 : vector<1024x1600xi1>, vector<1024x1600xi32>
      %reduce_min3A_87 = arith.constant dense<2147483647> : vector<1024xi32>
      %reduce_min3A_88 = vector.multi_reduction <minsi>, %select_n3A_86, %reduce_min3A_87 [1] : vector<1024x1600xi32> to vector<1024xi32>
      %broadcast_in_dim3A_89 = vector.shape_cast %reduce_min3A_88 : vector<1024xi32> to vector<1024x1xi32>
      %eq3A_90 = vector.broadcast %broadcast_in_dim3A_89 : vector<1024x1xi32> to vector<1024x1600xi32>
      %eq3A_91 = arith.cmpi eq, %iota3A, %eq3A_90 : vector<1024x1600xi32>
      %jit3A_92 = arith.constant 0x7F800000 : f32
      %broadcast_in_dim3A_93 = vector.broadcast %jit3A_92 : f32 to vector<1024x1600xf32>
      %select_n3A_94 = arith.select %eq3A_91, %broadcast_in_dim3A_93, %select_n3A_71 : vector<1024x1600xi1>, vector<1024x1600xf32>
      %eq3A_95 = vector.broadcast %scan3A_78 : i32 to vector<1024x128xi32>
      %eq3A_96 = arith.cmpi eq, %iota3A_2, %eq3A_95 : vector<1024x128xi32>
      %broadcast_in_dim3A_97 = vector.shape_cast %broadcast_in_dim3A_89 : vector<1024x1xi32> to vector<1024x1xi32>
      %broadcast_in_dim3A_98 = vector.broadcast %broadcast_in_dim3A_97 : vector<1024x1xi32> to vector<1024x128xi32>
      %select_n3A_99 = arith.select %eq3A_96, %broadcast_in_dim3A_98, %select_n3A_76 : vector<1024x128xi1>, vector<1024x128xi32>
      %scan3A_100 = arith.constant 2 : i32
      %scan3A_101 = arith.addi %scan3A_53, %scan3A_100 : i32
      %reduce_min3A_102 = arith.constant dense<0x7F800000> : vector<1024xf32>
      %reduce_min3A_103 = vector.multi_reduction <minimumf>, %select_n3A_94, %reduce_min3A_102 [1] : vector<1024x1600xf32> to vector<1024xf32>
      %broadcast_in_dim3A_104 = vector.shape_cast %reduce_min3A_103 : vector<1024xf32> to vector<1024x1xf32>
      %eq3A_105 = vector.broadcast %broadcast_in_dim3A_104 : vector<1024x1xf32> to vector<1024x1600xf32>
      %eq3A_106 = arith.cmpf oeq, %select_n3A_94, %eq3A_105 : vector<1024x1600xf32>
      %jit3A_107 = arith.constant 1600 : i32
      %broadcast_in_dim3A_108 = vector.broadcast %jit3A_107 : i32 to vector<1024x1600xi32>
      %select_n3A_109 = arith.select %eq3A_106, %iota3A, %broadcast_in_dim3A_108 : vector<1024x1600xi1>, vector<1024x1600xi32>
      %reduce_min3A_110 = arith.constant dense<2147483647> : vector<1024xi32>
      %reduce_min3A_111 = vector.multi_reduction <minsi>, %select_n3A_109, %reduce_min3A_110 [1] : vector<1024x1600xi32> to vector<1024xi32>
      %broadcast_in_dim3A_112 = vector.shape_cast %reduce_min3A_111 : vector<1024xi32> to vector<1024x1xi32>
      %eq3A_113 = vector.broadcast %broadcast_in_dim3A_112 : vector<1024x1xi32> to vector<1024x1600xi32>
      %eq3A_114 = arith.cmpi eq, %iota3A, %eq3A_113 : vector<1024x1600xi32>
      %jit3A_115 = arith.constant 0x7F800000 : f32
      %broadcast_in_dim3A_116 = vector.broadcast %jit3A_115 : f32 to vector<1024x1600xf32>
      %select_n3A_117 = arith.select %eq3A_114, %broadcast_in_dim3A_116, %select_n3A_94 : vector<1024x1600xi1>, vector<1024x1600xf32>
      %eq3A_118 = vector.broadcast %scan3A_101 : i32 to vector<1024x128xi32>
      %eq3A_119 = arith.cmpi eq, %iota3A_2, %eq3A_118 : vector<1024x128xi32>
      %broadcast_in_dim3A_120 = vector.shape_cast %broadcast_in_dim3A_112 : vector<1024x1xi32> to vector<1024x1xi32>
      %broadcast_in_dim3A_121 = vector.broadcast %broadcast_in_dim3A_120 : vector<1024x1xi32> to vector<1024x128xi32>
      %select_n3A_122 = arith.select %eq3A_119, %broadcast_in_dim3A_121, %select_n3A_99 : vector<1024x128xi1>, vector<1024x128xi32>
      %scan3A_123 = arith.constant 3 : i32
      %scan3A_124 = arith.addi %scan3A_53, %scan3A_123 : i32
      %reduce_min3A_125 = arith.constant dense<0x7F800000> : vector<1024xf32>
      %reduce_min3A_126 = vector.multi_reduction <minimumf>, %select_n3A_117, %reduce_min3A_125 [1] : vector<1024x1600xf32> to vector<1024xf32>
      %broadcast_in_dim3A_127 = vector.shape_cast %reduce_min3A_126 : vector<1024xf32> to vector<1024x1xf32>
      %eq3A_128 = vector.broadcast %broadcast_in_dim3A_127 : vector<1024x1xf32> to vector<1024x1600xf32>
      %eq3A_129 = arith.cmpf oeq, %select_n3A_117, %eq3A_128 : vector<1024x1600xf32>
      %jit3A_130 = arith.constant 1600 : i32
      %broadcast_in_dim3A_131 = vector.broadcast %jit3A_130 : i32 to vector<1024x1600xi32>
      %select_n3A_132 = arith.select %eq3A_129, %iota3A, %broadcast_in_dim3A_131 : vector<1024x1600xi1>, vector<1024x1600xi32>
      %reduce_min3A_133 = arith.constant dense<2147483647> : vector<1024xi32>
      %reduce_min3A_134 = vector.multi_reduction <minsi>, %select_n3A_132, %reduce_min3A_133 [1] : vector<1024x1600xi32> to vector<1024xi32>
      %broadcast_in_dim3A_135 = vector.shape_cast %reduce_min3A_134 : vector<1024xi32> to vector<1024x1xi32>
      %eq3A_136 = vector.broadcast %broadcast_in_dim3A_135 : vector<1024x1xi32> to vector<1024x1600xi32>
      %eq3A_137 = arith.cmpi eq, %iota3A, %eq3A_136 : vector<1024x1600xi32>
      %jit3A_138 = arith.constant 0x7F800000 : f32
      %broadcast_in_dim3A_139 = vector.broadcast %jit3A_138 : f32 to vector<1024x1600xf32>
      %select_n3A_140 = arith.select %eq3A_137, %broadcast_in_dim3A_139, %select_n3A_117 : vector<1024x1600xi1>, vector<1024x1600xf32>
      %eq3A_141 = vector.broadcast %scan3A_124 : i32 to vector<1024x128xi32>
      %eq3A_142 = arith.cmpi eq, %iota3A_2, %eq3A_141 : vector<1024x128xi32>
      %broadcast_in_dim3A_143 = vector.shape_cast %broadcast_in_dim3A_135 : vector<1024x1xi32> to vector<1024x1xi32>
      %broadcast_in_dim3A_144 = vector.broadcast %broadcast_in_dim3A_143 : vector<1024x1xi32> to vector<1024x128xi32>
      %select_n3A_145 = arith.select %eq3A_142, %broadcast_in_dim3A_144, %select_n3A_122 : vector<1024x128xi1>, vector<1024x128xi32>
      scf.yield %select_n3A_140, %select_n3A_145 : vector<1024x1600xf32>, vector<1024x128xi32>
    }
    %scan3A_8 = arith.constant 48 : i32
    %scan3A_9 = arith.addi %scan3A, %scan3A_8 : i32
    %reduce_min3A = arith.constant dense<0x7F800000> : vector<1024xf32>
    %reduce_min3A_10 = vector.multi_reduction <minimumf>, %scan3A_7#0, %reduce_min3A [1] : vector<1024x1600xf32> to vector<1024xf32>
    %broadcast_in_dim3A_11 = vector.shape_cast %reduce_min3A_10 : vector<1024xf32> to vector<1024x1xf32>
    %eq3A = vector.broadcast %broadcast_in_dim3A_11 : vector<1024x1xf32> to vector<1024x1600xf32>
    %eq3A_12 = arith.cmpf oeq, %scan3A_7#0, %eq3A : vector<1024x1600xf32>
    %jit3A = arith.constant 1600 : i32
    %broadcast_in_dim3A_13 = vector.broadcast %jit3A : i32 to vector<1024x1600xi32>
    %select_n3A = arith.select %eq3A_12, %iota3A, %broadcast_in_dim3A_13 : vector<1024x1600xi1>, vector<1024x1600xi32>
    %reduce_min3A_14 = arith.constant dense<2147483647> : vector<1024xi32>
    %reduce_min3A_15 = vector.multi_reduction <minsi>, %select_n3A, %reduce_min3A_14 [1] : vector<1024x1600xi32> to vector<1024xi32>
    %broadcast_in_dim3A_16 = vector.shape_cast %reduce_min3A_15 : vector<1024xi32> to vector<1024x1xi32>
    %eq3A_17 = vector.broadcast %broadcast_in_dim3A_16 : vector<1024x1xi32> to vector<1024x1600xi32>
    %eq3A_18 = arith.cmpi eq, %iota3A, %eq3A_17 : vector<1024x1600xi32>
    %jit3A_19 = arith.constant 0x7F800000 : f32
    %broadcast_in_dim3A_20 = vector.broadcast %jit3A_19 : f32 to vector<1024x1600xf32>
    %select_n3A_21 = arith.select %eq3A_18, %broadcast_in_dim3A_20, %scan3A_7#0 : vector<1024x1600xi1>, vector<1024x1600xf32>
    %eq3A_22 = vector.broadcast %scan3A_9 : i32 to vector<1024x128xi32>
    %eq3A_23 = arith.cmpi eq, %iota3A_2, %eq3A_22 : vector<1024x128xi32>
    %broadcast_in_dim3A_24 = vector.shape_cast %broadcast_in_dim3A_16 : vector<1024x1xi32> to vector<1024x1xi32>
    %broadcast_in_dim3A_25 = vector.broadcast %broadcast_in_dim3A_24 : vector<1024x1xi32> to vector<1024x128xi32>
    %select_n3A_26 = arith.select %eq3A_23, %broadcast_in_dim3A_25, %scan3A_7#1 : vector<1024x128xi1>, vector<1024x128xi32>
    %scan3A_27 = arith.constant 49 : i32
    %scan3A_28 = arith.addi %scan3A, %scan3A_27 : i32
    %reduce_min3A_29 = arith.constant dense<0x7F800000> : vector<1024xf32>
    %reduce_min3A_30 = vector.multi_reduction <minimumf>, %select_n3A_21, %reduce_min3A_29 [1] : vector<1024x1600xf32> to vector<1024xf32>
    %broadcast_in_dim3A_31 = vector.shape_cast %reduce_min3A_30 : vector<1024xf32> to vector<1024x1xf32>
    %eq3A_32 = vector.broadcast %broadcast_in_dim3A_31 : vector<1024x1xf32> to vector<1024x1600xf32>
    %eq3A_33 = arith.cmpf oeq, %select_n3A_21, %eq3A_32 : vector<1024x1600xf32>
    %jit3A_34 = arith.constant 1600 : i32
    %broadcast_in_dim3A_35 = vector.broadcast %jit3A_34 : i32 to vector<1024x1600xi32>
    %select_n3A_36 = arith.select %eq3A_33, %iota3A, %broadcast_in_dim3A_35 : vector<1024x1600xi1>, vector<1024x1600xi32>
    %reduce_min3A_37 = arith.constant dense<2147483647> : vector<1024xi32>
    %reduce_min3A_38 = vector.multi_reduction <minsi>, %select_n3A_36, %reduce_min3A_37 [1] : vector<1024x1600xi32> to vector<1024xi32>
    %broadcast_in_dim3A_39 = vector.shape_cast %reduce_min3A_38 : vector<1024xi32> to vector<1024x1xi32>
    %eq3A_40 = vector.broadcast %broadcast_in_dim3A_39 : vector<1024x1xi32> to vector<1024x1600xi32>
    %eq3A_41 = arith.cmpi eq, %iota3A, %eq3A_40 : vector<1024x1600xi32>
    %jit3A_42 = arith.constant 0x7F800000 : f32
    %broadcast_in_dim3A_43 = vector.broadcast %jit3A_42 : f32 to vector<1024x1600xf32>
    %select_n3A_44 = arith.select %eq3A_41, %broadcast_in_dim3A_43, %select_n3A_21 : vector<1024x1600xi1>, vector<1024x1600xf32>
    %eq3A_45 = vector.broadcast %scan3A_28 : i32 to vector<1024x128xi32>
    %eq3A_46 = arith.cmpi eq, %iota3A_2, %eq3A_45 : vector<1024x128xi32>
    %broadcast_in_dim3A_47 = vector.shape_cast %broadcast_in_dim3A_39 : vector<1024x1xi32> to vector<1024x1xi32>
    %broadcast_in_dim3A_48 = vector.broadcast %broadcast_in_dim3A_47 : vector<1024x1xi32> to vector<1024x128xi32>
    %select_n3A_49 = arith.select %eq3A_46, %broadcast_in_dim3A_48, %select_n3A_26 : vector<1024x128xi1>, vector<1024x128xi32>
    %scan3A_50 = arith.constant 50 : i32
    %swap3A = arith.constant 0 : index
    %swap3A_51 = arith.constant 0 : index
    %swap3A_52 = vector.load %arg2[%swap3A, %swap3A_51] : memref<1024x128xi32, #tpu.memory_space<vmem>>, vector<1024x128xi32>
    tpu.vector_store %arg2[%swap3A, %swap3A_51], %select_n3A_49 {strides = array<i32>} : memref<1024x128xi32, #tpu.memory_space<vmem>>, vector<1024x128xi32>,
    return
  }
  func.func @transform_0(%arg0: i32) -> (i32, i32) {
    %c0_i32 = arith.constant 0 : i32
    %c0_i32_0 = arith.constant 0 : i32
    return %arg0, %c0_i32 : i32, i32
  }
  func.func @transform_1(%arg0: i32) -> (i32, i32) {
    %c0_i32 = arith.constant 0 : i32
    %c0_i32_0 = arith.constant 0 : i32
    return %arg0, %c0_i32 : i32, i32
  }
}

module attributes {stable_mosaic.version = 14 : i64} {
  func.func @_critic_body(%arg0: i32, %arg1: memref<128x128xf32, #tpu.memory_space<vmem>>, %arg2: memref<128x50x32xf32, #tpu.memory_space<vmem>>, %arg3: memref<160x256xf32, #tpu.memory_space<vmem>>, %arg4: memref<1x256xf32, #tpu.memory_space<vmem>>, %arg5: memref<256x256xf32, #tpu.memory_space<vmem>>, %arg6: memref<1x256xf32, #tpu.memory_space<vmem>>, %arg7: memref<256x1xf32, #tpu.memory_space<vmem>>, %arg8: memref<1x1xf32, #tpu.memory_space<vmem>>, %arg9: memref<128x32xf32, #tpu.memory_space<vmem>>) attributes {dimension_semantics = [#tpu.dimension_semantics<parallel>], iteration_bounds = array<i64: 8>, scalar_prefetch = 0 : i64, scratch_operands = 0 : i64, tpu.core_type = #tpu.core_type<tc>, window_params = [{transform_indices = @transform_0, window_bounds = array<i64: 128, 128>}, {transform_indices = @transform_1, window_bounds = array<i64: 128, 50, 32>}, {pipeline_mode = #tpu.pipeline_mode<synchronous>, transform_indices = @transform_2, window_bounds = array<i64: 160, 256>}, {pipeline_mode = #tpu.pipeline_mode<synchronous>, transform_indices = @transform_3, window_bounds = array<i64: 1, 256>}, {pipeline_mode = #tpu.pipeline_mode<synchronous>, transform_indices = @transform_4, window_bounds = array<i64: 256, 256>}, {pipeline_mode = #tpu.pipeline_mode<synchronous>, transform_indices = @transform_5, window_bounds = array<i64: 1, 256>}, {pipeline_mode = #tpu.pipeline_mode<synchronous>, transform_indices = @transform_6, window_bounds = array<i64: 256, 1>}, {pipeline_mode = #tpu.pipeline_mode<synchronous>, transform_indices = @transform_7, window_bounds = array<i64: 1, 1>}, {transform_indices = @transform_8, window_bounds = array<i64: 128, 32>}]} {
    %get3A = arith.constant 0 : index
    %get3A_0 = arith.constant 0 : index
    %get3A_1 = vector.load %arg1[%get3A, %get3A_0] : memref<128x128xf32, #tpu.memory_space<vmem>>, vector<128x128xf32>
    %broadcast_in_dim3A = vector.shape_cast %get3A_1 : vector<128x128xf32> to vector<128x1x128xf32>
    %broadcast_in_dim3A_2 = vector.shape_cast %broadcast_in_dim3A : vector<128x1x128xf32> to vector<128x1x128xf32>
    %broadcast_in_dim3A_3 = vector.broadcast %broadcast_in_dim3A_2 : vector<128x1x128xf32> to vector<128x50x128xf32>
    %get3A_4 = arith.constant 0 : index
    %get3A_5 = arith.constant 0 : index
    %get3A_6 = arith.constant 0 : index
    %get3A_7 = vector.load %arg2[%get3A_4, %get3A_5, %get3A_6] : memref<128x50x32xf32, #tpu.memory_space<vmem>>, vector<128x50x32xf32>
    %concatenate3A = tpu.concatenate %broadcast_in_dim3A_3, %get3A_7 in 2 : vector<128x50x128xf32>, vector<128x50x32xf32> -> vector<128x50x160xf32>
    %reshape3A = vector.shape_cast %concatenate3A : vector<128x50x160xf32> to vector<6400x160xf32>
    %get3A_8 = arith.constant 0 : index
    %get3A_9 = arith.constant 0 : index
    %get3A_10 = vector.load %arg3[%get3A_8, %get3A_9] : memref<160x256xf32, #tpu.memory_space<vmem>>, vector<160x256xf32>
    %dot_general3A = arith.constant dense<0.000000e+00> : vector<6400x256xf32>
    %dot_general3A_11 = tpu.matmul %reshape3A, %get3A_10, %dot_general3A {dimension_numbers = #tpu.dot_dimension_numbers<[1], [0], [0], [1], [0, 0, 1, 1], [], []>, transpose_lhs_hint = false} : vector<6400x160xf32>, vector<160x256xf32>, vector<6400x256xf32> -> vector<6400x256xf32>
    %get3A_12 = arith.constant 0 : index
    %get3A_13 = arith.constant 0 : index
    %get3A_14 = vector.load %arg4[%get3A_12, %get3A_13] : memref<1x256xf32, #tpu.memory_space<vmem>>, vector<1x256xf32>
    %add3A = vector.broadcast %get3A_14 : vector<1x256xf32> to vector<6400x256xf32>
    %add3A_15 = arith.addf %dot_general3A_11, %add3A : vector<6400x256xf32>
    %max3A = arith.constant 0.000000e+00 : f32
    %max3A_16 = vector.broadcast %max3A : f32 to vector<6400x256xf32>
    %max3A_17 = arith.maximumf %add3A_15, %max3A_16 : vector<6400x256xf32>
    %get3A_18 = arith.constant 0 : index
    %get3A_19 = arith.constant 0 : index
    %get3A_20 = vector.load %arg5[%get3A_18, %get3A_19] : memref<256x256xf32, #tpu.memory_space<vmem>>, vector<256x256xf32>
    %dot_general3A_21 = arith.constant dense<0.000000e+00> : vector<6400x256xf32>
    %dot_general3A_22 = tpu.matmul %max3A_17, %get3A_20, %dot_general3A_21 {dimension_numbers = #tpu.dot_dimension_numbers<[1], [0], [0], [1], [0, 0, 1, 1], [], []>, transpose_lhs_hint = false} : vector<6400x256xf32>, vector<256x256xf32>, vector<6400x256xf32> -> vector<6400x256xf32>
    %get3A_23 = arith.constant 0 : index
    %get3A_24 = arith.constant 0 : index
    %get3A_25 = vector.load %arg6[%get3A_23, %get3A_24] : memref<1x256xf32, #tpu.memory_space<vmem>>, vector<1x256xf32>
    %add3A_26 = vector.broadcast %get3A_25 : vector<1x256xf32> to vector<6400x256xf32>
    %add3A_27 = arith.addf %dot_general3A_22, %add3A_26 : vector<6400x256xf32>
    %max3A_28 = arith.constant 0.000000e+00 : f32
    %max3A_29 = vector.broadcast %max3A_28 : f32 to vector<6400x256xf32>
    %max3A_30 = arith.maximumf %add3A_27, %max3A_29 : vector<6400x256xf32>
    %get3A_31 = arith.constant 0 : index
    %get3A_32 = arith.constant 0 : index
    %get3A_33 = vector.load %arg7[%get3A_31, %get3A_32] : memref<256x1xf32, #tpu.memory_space<vmem>>, vector<256x1xf32>
    %dot_general3A_34 = arith.constant dense<0.000000e+00> : vector<6400x1xf32>
    %dot_general3A_35 = tpu.matmul %max3A_30, %get3A_33, %dot_general3A_34 {dimension_numbers = #tpu.dot_dimension_numbers<[1], [0], [0], [1], [0, 0, 1, 1], [], []>, transpose_lhs_hint = false} : vector<6400x256xf32>, vector<256x1xf32>, vector<6400x1xf32> -> vector<6400x1xf32>
    %get3A_36 = arith.constant 0 : index
    %get3A_37 = arith.constant 0 : index
    %get3A_38 = vector.load %arg8[%get3A_36, %get3A_37] : memref<1x1xf32, #tpu.memory_space<vmem>>, vector<1x1xf32>
    %add3A_39 = vector.broadcast %get3A_38 : vector<1x1xf32> to vector<6400x1xf32>
    %add3A_40 = arith.addf %dot_general3A_35, %add3A_39 : vector<6400x1xf32>
    %reshape3A_41 = vector.shape_cast %add3A_40 : vector<6400x1xf32> to vector<128x50xf32>
    %iota3A = tpu.iota {dimensions = array<i32: 1>} : vector<128x50xi32>
    %reduce_max3A = arith.constant dense<0xFF800000> : vector<128xf32>
    %reduce_max3A_42 = vector.multi_reduction <maximumf>, %reshape3A_41, %reduce_max3A [1] : vector<128x50xf32> to vector<128xf32>
    %broadcast_in_dim3A_43 = vector.shape_cast %reduce_max3A_42 : vector<128xf32> to vector<128x1xf32>
    %ge3A = vector.broadcast %broadcast_in_dim3A_43 : vector<128x1xf32> to vector<128x50xf32>
    %ge3A_44 = arith.cmpf oge, %reshape3A_41, %ge3A : vector<128x50xf32>
    %jit3A = arith.constant 50 : i32
    %broadcast_in_dim3A_45 = vector.broadcast %jit3A : i32 to vector<128x50xi32>
    %select_n3A = arith.select %ge3A_44, %iota3A, %broadcast_in_dim3A_45 : vector<128x50xi1>, vector<128x50xi32>
    %reduce_min3A = arith.constant dense<2147483647> : vector<128xi32>
    %reduce_min3A_46 = vector.multi_reduction <minsi>, %select_n3A, %reduce_min3A [1] : vector<128x50xi32> to vector<128xi32>
    %broadcast_in_dim3A_47 = vector.shape_cast %reduce_min3A_46 : vector<128xi32> to vector<128x1xi32>
    %eq3A = vector.broadcast %broadcast_in_dim3A_47 : vector<128x1xi32> to vector<128x50xi32>
    %eq3A_48 = arith.cmpi eq, %iota3A, %eq3A : vector<128x50xi32>
    %convert_element_type3A = arith.extui %eq3A_48 : vector<128x50xi1> to vector<128x50xi32>
    %convert_element_type3A_49 = arith.sitofp %convert_element_type3A : vector<128x50xi32> to vector<128x50xf32>
    %get3A_50 = arith.constant 0 : index
    %get3A_51 = arith.constant 0 : index
    %get3A_52 = arith.constant 0 : index
    %get3A_53 = vector.load %arg2[%get3A_50, %get3A_51, %get3A_52] : memref<128x50x32xf32, #tpu.memory_space<vmem>>, vector<128x50x32xf32>
    %broadcast_in_dim3A_54 = vector.shape_cast %convert_element_type3A_49 : vector<128x50xf32> to vector<128x50x1xf32>
    %mul3A = vector.broadcast %broadcast_in_dim3A_54 : vector<128x50x1xf32> to vector<128x50x32xf32>
    %mul3A_55 = arith.mulf %get3A_53, %mul3A : vector<128x50x32xf32>
    %reduce_sum3A = arith.constant dense<0.000000e+00> : vector<128x32xf32>
    %reduce_sum3A_56 = vector.multi_reduction <add>, %mul3A_55, %reduce_sum3A [1] : vector<128x50x32xf32> to vector<128x32xf32>
    %swap3A = arith.constant 0 : index
    %swap3A_57 = arith.constant 0 : index
    %swap3A_58 = vector.load %arg9[%swap3A, %swap3A_57] : memref<128x32xf32, #tpu.memory_space<vmem>>, vector<128x32xf32>
    tpu.vector_store %arg9[%swap3A, %swap3A_57], %reduce_sum3A_56 {strides = array<i32>} : memref<128x32xf32, #tpu.memory_space<vmem>>, vector<128x32xf32>,
    return
  }
  func.func @transform_0(%arg0: i32) -> (i32, i32) {
    %c0_i32 = arith.constant 0 : i32
    %c0_i32_0 = arith.constant 0 : i32
    return %arg0, %c0_i32 : i32, i32
  }
  func.func @transform_1(%arg0: i32) -> (i32, i32, i32) {
    %c0_i32 = arith.constant 0 : i32
    %c0_i32_0 = arith.constant 0 : i32
    %c0_i32_1 = arith.constant 0 : i32
    return %arg0, %c0_i32, %c0_i32_0 : i32, i32, i32
  }
  func.func @transform_2(%arg0: i32) -> (i32, i32) {
    %c0_i32 = arith.constant 0 : i32
    %c0_i32_0 = arith.constant 0 : i32
    %c0_i32_1 = arith.constant 0 : i32
    return %c0_i32, %c0_i32_0 : i32, i32
  }
  func.func @transform_3(%arg0: i32) -> (i32, i32) {
    %c0_i32 = arith.constant 0 : i32
    %c0_i32_0 = arith.constant 0 : i32
    %c0_i32_1 = arith.constant 0 : i32
    return %c0_i32, %c0_i32_0 : i32, i32
  }
  func.func @transform_4(%arg0: i32) -> (i32, i32) {
    %c0_i32 = arith.constant 0 : i32
    %c0_i32_0 = arith.constant 0 : i32
    %c0_i32_1 = arith.constant 0 : i32
    return %c0_i32, %c0_i32_0 : i32, i32
  }
  func.func @transform_5(%arg0: i32) -> (i32, i32) {
    %c0_i32 = arith.constant 0 : i32
    %c0_i32_0 = arith.constant 0 : i32
    %c0_i32_1 = arith.constant 0 : i32
    return %c0_i32, %c0_i32_0 : i32, i32
  }
  func.func @transform_6(%arg0: i32) -> (i32, i32) {
    %c0_i32 = arith.constant 0 : i32
    %c0_i32_0 = arith.constant 0 : i32
    %c0_i32_1 = arith.constant 0 : i32
    return %c0_i32, %c0_i32_0 : i32, i32
  }
  func.func @transform_7(%arg0: i32) -> (i32, i32) {
    %c0_i32 = arith.constant 0 : i32
    %c0_i32_0 = arith.constant 0 : i32
    %c0_i32_1 = arith.constant 0 : i32
    return %c0_i32, %c0_i32_0 : i32, i32
  }
  func.func @transform_8(%arg0: i32) -> (i32, i32) {
    %c0_i32 = arith.constant 0 : i32
    %c0_i32_0 = arith.constant 0 : i32
    return %arg0, %c0_i32 : i32, i32
  }
}

</mosaic_0001>

<sc_bundles>
// kernel: gather_offload_async_start.1
scs
__scs_entry_jumppad:
0x0: {  	(pc) =	sbr.rel $0x88, $3  }
0x1: {  	(tag) =	ssettag $0x0;
	lr =	simm.s32 $0x1  }
0x2: {  	[smem:$0x3F92] =	sst lr;
	_ =	strace $0xD0000000  }
0x3: {  	_ = 	snop  }
0x4: {  	_ = 	snop  }
0x5: {  	_ = 	snop  }
0x6: {  	_ = 	snop  }
0x7: {  	_ = 	snop  }
__scs_overlays_trampoline_lowered:
0x8: {  	[smem:$0x3FA1] =	sst s0  }
0x9: {  	[smem:$0x3FA2] =	sst s1  }
0xa: {  	[smem:$0x3FA3] =	sst s2  }
0xb: {  	[smem:$0x3FA4] =	sst s3  }
0xc: {  	[smem:$0x3FA5] =	sst s4  }
0xd: {  	[smem:$0x3FA6] =	sst s5  }
0xe: {  	[smem:$0x3FA7] =	sst s6  }
0xf: {  	[smem:$0x3FA8] =	sst s7  }
0x10: {  	[smem:$0x3FA9] =	sst s8  }
0x11: {  	[smem:$0x3FAA] =	sst s9;
	s0 =	simm.s32 @!p0 $0x0  }
0x12: {  	s1 =	sld [smem:$0x3F90];
	s0 =	simm.s32 @p0 $0x1  }
0x13: {  	[smem:$0x3FAB] =	sst s0;
	s0 =	simm.s32 @!p1 $0x0  }
0x14: {  	s2 =	sld [smem:$0x3F8F];
	s0 =	simm.s32 @p1 $0x1  }
0x15: {  	[smem:$0x3FAC] =	sst s0;
	s0 =	simm.s32 @!p2 $0x0  }
0x16: {  	s3 =	sld [smem:$0x3FDB];
	s0 =	simm.s32 @p2 $0x1  }
0x17: {  	s4 =	simm.s32 $0x1BF5;
	[smem:$0x3FAE] =	sst s0  }
0x18: {  	s0 =	sld [smem:$0x3F91];
	_ =	swait.ge [sflag:s4], $0x0  }
0x19: {  	s7 =	sld [smem:$0x3F92]  }
0x1a: {  	s8 =	sadd.s32 $0xFFFFE003, lr  }
0x1b: {  	s9 =	sadd.s32 $0xFFFFFEF7, lr;
	s5 =	simm.s32 $0xFFFFFFFF;
	p2 =	slt.u32 s8, $0xFFFFF086  }
0x1c: {  	p1 =	slt.u32 s9, $0xF7A;
	s5 =	simm.s32 @!p2 $0x0  }
0x1d: {  	s5 =	simm.s32 @p1 $0x1;
	p0 =	seq.s32 s7, s2  }
0x1e: {  	s7 =	smul.u32 @!p0 $0xF7A, s2;
	p2 =	seq.s32 @!p0 s5, $0x0  }
0x1f: {  	s9 =	smul.u32 $0xF7A, s1;
	s8 =	simm.s32 @!p0 $0x1BF5;
	p2 =	por !p2, p0  }
0x20: {  	[sflag:s8] =	ssyncset.s32 @!p0 $0xFFFFF086;
	s6 =	sadd.s32 @!p0 s3, s7;
	s7 =	simm.s32 @!p0 $0x108  }
0x21: {  	s3 =	sadd.s32 s3, s9;
	s6 =	sadd.s32 @!p0 $0x88, s6;
	s7 =	simm.s32 @p2 $0x1082  }
0x22: {  	[simem:s7], [sflag:s8] =	dma.local @!p0 [hbm:s6], $0xF7A  }
0x23: {  	s9 =	sor.u32 $0xD0000000, s2;
	s6 =	simm.s32 $0x108;
	_ =	swait.ge @!p0 [sflag:s8], $0x0  }
0x24: {  	s3 =	sadd.s32 $0x88, s3;
	s6 =	simm.s32 @!p1 $0x1082;
	[sflag:s4] =	ssyncset.s32 $0xFFFFF086  }
0x25: {  	[simem:s6], [sflag:s4] =	dma.local [hbm:s3], $0xF7A  }
0x26: {  	[smem:$0x3F92] =	sst s1;
	(tag) =	ssettag s2;
	_ =	strace s9  }
0x27: {  	s1 =	sld [smem:$0x3FA2]  }
0x28: {  	s2 =	sld [smem:$0x3FA3]  }
0x29: {  	s4 =	sld [smem:$0x3FA5]  }
0x2a: {  	p0 =	seq.s32 s5, $0x0;
	s5 =	sld [smem:$0x3FA6]  }
0x2b: {  	s6 =	sld [smem:$0x3FA7]  }
0x2c: {  	s7 =	sld [smem:$0x3FA8]  }
0x2d: {  	s3 =	simm.s32 $0x108;
	s8 =	sld [smem:$0x3FA9]  }
0x2e: {  	s3 =	simm.s32 @!p0 $0x1082;
	s9 =	sld [smem:$0x3FAA]  }
0x2f: {  	lr =	sadd.s32 s0, s3;
	s0 =	sld [smem:$0x3FA1]  }
0x30: {  	s3 =	sld [smem:$0x3FA4]  }
0x31: {  	[smem:$0x3FAD] =	sst s10  }
0x32: {  	s10 =	sld [smem:$0x3FAB];
	_ =	sdelay $0x3  }
0x33: {  	p0 =	seq.s32 s10, $0x1;
	s10 =	sld [smem:$0x3FAD];
	_ =	sdelay $0x3  }
0x34: {  	[smem:$0x3FAD] =	sst s10  }
0x35: {  	s10 =	sld [smem:$0x3FAC];
	_ =	sdelay $0x3  }
0x36: {  	p1 =	seq.s32 s10, $0x1;
	s10 =	sld [smem:$0x3FAD];
	_ =	sdelay $0x3  }
0x37: {  	[smem:$0x3FAD] =	sst s10  }
0x38: {  	s10 =	sld [smem:$0x3FAE]  }
0x39: {  	_ = 	snop;
	(pc) =	sbr.ind lr, $3  }
0x3a: {  	_ = 	snop  }
0x3b: {  	_ = 	snop  }
0x3c: {  	p2 =	seq.s32 s10, $0x1;
	s10 =	sld [smem:$0x3FAD]  }
0x3d: {  	_ =	shalt  }
0x3e: {  	_ =	shalt  }
0x3f: {  	_ =	shalt  }
0x40: {  	_ =	shalt  }
0x41: {  	_ =	shalt  }
0x42: {  	_ =	shalt  }
0x43: {  	_ =	shalt  }
0x44: {  	_ =	shalt  }
0x45: {  	_ =	shalt  }
0x46: {  	_ =	shalt  }
0x47: {  	_ =	shalt  }
0x48: {  	_ =	shalt  }
0x49: {  	_ =	shalt  }
0x4a: {  	_ =	shalt  }
0x4b: {  	_ =	shalt  }
0x4c: {  	_ =	shalt  }
0x4d: {  	_ =	shalt  }
0x4e: {  	_ =	shalt  }
0x4f: {  	_ =	shalt  }
0x50: {  	_ =	shalt  }
0x51: {  	_ =	shalt  }
0x52: {  	_ =	shalt  }
0x53: {  	_ =	shalt  }
0x54: {  	_ =	shalt  }
0x55: {  	_ =	shalt  }
0x56: {  	_ =	shalt  }
0x57: {  	_ =	shalt  }
0x58: {  	_ =	shalt  }
0x59: {  	_ =	shalt  }
0x5a: {  	_ =	shalt  }
0x5b: {  	_ =	shalt  }
0x5c: {  	_ =	shalt  }
0x5d: {  	_ =	shalt  }
0x5e: {  	_ =	shalt  }
0x5f: {  	_ =	shalt  }
0x60: {  	_ =	shalt  }
0x61: {  	_ =	shalt  }
0x62: {  	_ =	shalt  }
0x63: {  	_ =	shalt  }
0x64: {  	_ =	shalt  }
0x65: {  	_ =	shalt  }
0x66: {  	_ =	shalt  }
0x67: {  	_ =	shalt  }
0x68: {  	_ =	shalt  }
0x69: {  	_ =	shalt  }
0x6a: {  	_ =	shalt  }
0x6b: {  	_ =	shalt  }
0x6c: {  	_ =	shalt  }
0x6d: {  	_ =	shalt  }
0x6e: {  	_ =	shalt  }
0x6f: {  	_ =	shalt  }
0x70: {  	_ =	shalt  }
0x71: {  	_ =	shalt  }
0x72: {  	_ =	shalt  }
0x73: {  	_ =	shalt  }
0x74: {  	_ =	shalt  }
0x75: {  	_ =	shalt  }
0x76: {  	_ =	shalt  }
0x77: {  	_ =	shalt  }
0x78: {  	_ =	shalt  }
0x79: {  	_ =	shalt  }
0x7a: {  	_ =	shalt  }
0x7b: {  	_ =	shalt  }
0x7c: {  	_ =	shalt  }
0x7d: {  	_ =	shalt  }
0x7e: {  	_ =	shalt  }
0x7f: {  	_ =	shalt  }
0x80: {  	_ =	shalt  }
0x81: {  	_ =	shalt  }
0x82: {  	_ =	shalt  }
0x83: {  	_ =	shalt  }
0x84: {  	_ =	shalt  }
0x85: {  	_ =	shalt  }
0x86: {  	_ =	shalt  }
0x87: {  	_ =	shalt  }
.Lfunc_end0:
.L_simem_size_0:
called_computation.1_lowered:
.L_overlay_start_0:
0x88: {  	s2 =	sld [smem:$0x3FD9]  }
0x89: {  	s3 =	sld [smem:$0x3FFE];
	_ =	sdelay $0x1  }
0x8a: {  	s1 =	srdreg.scid  }
0x8b: {  	s0 =	sand.u32 $0x1, s1  }
0x8c: {  	s16 =	sshll.u32 s0, $0xA;
	s2 =	sadd.s32 s3, s2  }
0x8d: {  	s2 =	sadd.s32 s2, s16  }
0x8e: {  	[smem:$0x3FB9] =	sst s2  }
0x8f: {  	_ = 	snop  }
0x90: {  	(tm) =	ssettm $0x1  }
0x91: {  	s17 =	sld [smem:$0x3FFB];
	_ =	sdelay $0x3  }
0x92: {  	_ =	strace s17  }
0x93: {  	s2 =	sld [smem:$0x3FFC];
	_ =	sdelay $0x3  }
0x94: {  	_ =	strace s2  }
0x95: {  	s2 =	sld [smem:$0x3FFD];
	_ =	sdelay $0x3  }
0x96: {  	_ =	strace s2  }
0x97: {  	_ =	strace $0x8FFFFFFF  }
0x98: {  	s18 =	sld [smem:$0x3FDB];
	_ =	sdelay $0x1  }
0x99: {  	s19 =	simm.s32 $_scs_section_size  }
0x9a: {  	s4 =	simm.s32 $_size__tile_overlayer_lowered;
	s5 =	simm.s32 $_tile_overlayer_lowered  }
0x9b: {  	s22 =	simm.s32 $0x1BFF;
	s21 =	sshll.u32 s5, $0x1;
	s2 =	sadd.s32 s19, s18  }
0x9c: {  	s6 =	simm.s32 $0x0;
	s20 =	sshll.u32 s4, $0x1;
	s4 =	sadd.s32 s21, s2  }
0x9d: {  	[timem:s6], [sflag:s22] =	dma.local [hbm:s4], s20  }
0x9e: {  	_ =	swait.ge [sflag:s22], s20  }
0x9f: {  	s3 =	ssub.s32 $0x0, s20;
	[sflag:s22] =	ssyncset.done $0x0  }
0xa0: {  	[sflag:s22] =	ssyncadd.s32 s3;
	_ =	sdelay $0x1  }
0xa1: {  	s23 =	simm.s32 $0x1B8B  }
0xa2: {  	_ =	swait.ge [sflag:s23], $0x1  }
0xa3: {  	[sflag:s23] =	ssyncset.done $0x0  }
0xa4: {  	s25 =	simm.s32 $0x1B8E;
	s24 =	sld [smem:$0x3FFE];
	[sflag:s23] =	ssyncadd.s32 $0xFFFFFFFF  }
0xa5: {  	s26 =	simm.s32 $execute0_lowered;
	[smem:$0x3FD2] =	sst s25  }
0xa6: {  	s4 =	sshll.u32 s26, $0x1;
	_ =	strace $0x80000046;
	[dreg:$0x1] =	wrdreg $0xFFFFFFFF  }
0xa7: {  	s28 =	simm.s32 $_size_execute0_lowered;
	s2 =	sadd.s32 s2, s4;
	[dreg:$0x0] =	wrdreg $0x0  }
0xa8: {  	s4 =	sshll.u32 s28, $0x1;
	[dreg:$0x2] =	wrdreg s2  }
0xa9: {  	[dreg:$0x3] =	wrdreg s4  }
0xaa: {  	[dreg:$0x4] =	wrdreg $0xC0  }
0xab: {  	_ =	task [dreg:s6], $0x5FFFF  }
0xac: {  	[dreg:$0x1] =	wrdreg $0xFFFFFFFF  }
0xad: {  	[dreg:$0x0] =	wrdreg $0x60  }
0xae: {  	[dreg:$0x2] =	wrdreg s24  }
0xaf: {  	[dreg:$0x3] =	wrdreg $0x9  }
0xb0: {  	_ =	task.clear_ibuf [dreg:s6], $0x4FFFF;
	_ =	strace $0x90000046  }
0xb1: {  	s29 =	simm.s32 $0x9;
	_ =	strace $0x80000048  }
0xb2: {  	_ =	swait.ge [sflag:s29], $0x1  }
0xb3: {  	[sflag:s29] =	ssyncadd.s32 $0xFFFFFFFF  }
0xb4: {  	_ =	strace $0x90000048  }
0xb5: {  	_ =	sfence  }
0xb6: {  	s30 =	sld [smem:$0x0];
	_ =	sdelay $0x2  }
0xb7: {  	s31 =	sshll.u32 s1, $0xD;
	s1 =	sshrl.u32 s1, $0x2  }
0xb8: {  	s3 =	sand.u32 $0x4000, s31;
	s1 =	sadd.s32 s1, s30  }
0xb9: {  	s0 =	sor.u32 s3, s0;
	s1 =	sshll.u32 s1, $0x11  }
0xba: {  	s0 =	sor.u32 s1, s0  }
0xbb: {  	s0 =	sadd.s32 $0x8F2B, s0  }
0xbc: {  	[sflag:s0] =	ssyncadd.remote.s32 $0x1  }
0xbd: {  	_ =	sfence.sel $0xFFFF  }
0xbe: {  	[dreg:$0x0] =	wrdreg $0xFFFFFFFF;
	(pc) =	sbr.abs _section_cstart, $3  }
0xbf: {  	[dreg:$0x1] =	wrdreg $0xFFFFFFFF  }
0xc0: {  	_ =	task.clear_ibuf [dreg:s6], $0x2FFFF;
	_ =	strace $0x9FFFFFFF  }
0xc1: {  	(tm) =	ssettm $0x7FFFFFFF  }
tec
execute0_lowered:
.L_overlay_start_1:
0x0: {  	(tag) =	ssettag $0x1  }
0x1: {  	s0 =	stileid.u32  }
0x2: {  	s1 =	srdreg.scid;
	s9 =	rddreg [dreg:$0x0];
	s4 =	simm.s32 $0x1  }
0x3: {  	s6 =	simm.s32 $0x2;
	s11 =	simm.s32 $0x1;
	s31 =	simm.s32 $0x3  }
0x4: {  	s13 =	simm.s32 $0x0;
	s1 =	sand.u32 $0x1, s1;
	s2 =	sshll.u32 s0, $0x1  }
0x5: {  	s12 =	simm.s32 $0x0;
	s3 =	sadd.s32 $0x3E1800, s9;
	s7 =	sor.u32 s2, s1  }
0x6: {  	s1 =	rddreg [dreg:$0x1];
	_ =	strace $0x80000047;
	s2 =	smul.u32 $0xC80, s7  }
0x7: {  	[sflag:s4] =	ssyncpa.u1 $0x0;
	p0 =	seq.s32 s7, $0x0;
	s7 =	simm.s32 $0x19000  }
0x8: {  	s7 =	simm.s32 @!p0 $0x0;
	s11 =	simm.s32 @!p0 $0x0;
	[sflag:s6] =	ssyncpa.u1 $0x0  }
.Ltmp0:
0x9: {  	s5 =	sshrl.u32 s2, $0x3;
	s10 =	ssub.s32 $0x19000, s2;
	(pc) =	sbr.rel .LBB2_1-.Ltmp0, $4  }
0xa: {  	[sflag:s31] =	ssyncpa.u1 $0x0;
	p0 =	sne.s32 s10, s7;
	s7 =	simm.s32 $0x1  }
0xb: {  	s8 =	sadd.s32 s5, s9;
	s5 =	sadd.s32 $0x194A00, s9;
	s7 =	simm.s32 @!p0 $0x0  }
0xc: {  	s9 =	sadd.s32 $0x1ADA00, s9;
	s8 =	sadd.s32 $0x191800, s8;
	s7 =	sadd.s32 s11, s7  }
0xd: {  	vm0 =	vmmov $0xffff;
	p0 =	por $0x0, $0x0;
	s11 =	simm.s32 $0x0;
	s10 =	sadd.s32 $0x1, s7  }
.LBB2_4:
0xe: {  	_ =	sdelay $0x2  }
0xf: {  	(ifvalue) =	ssetifvalue $0x7FFFFFFF  }
0x10: {  	[tilespmem:s20], [sflag:$0x1] =	stream.indirect_vreg.gather [hbm4b:s3+s11], $0x1, v0, vm0, $0x4038;
	[tilespmem:$0x1A900] =	vst v63  }
0x11: {  	_ =	swait.ge [sflag:s4], $0xC800  }
0x12: {  	[sflag:s4] =	ssyncset.done $0x0  }
0x13: {  	s16 =	sadd.s32 s5, s13;
	[sflag:s4] =	ssyncadd.s32 $0xFFFF3800  }
0x14: {  	[hbm:s16] =	stream.linear.scatter [tilespmem:s15], [sflag:$0x3], $0x6400, $0x38;
	[tilespmem:$0x1A900] =	vst v63  }
0x15: {  	s14 =	sadd.s32 $0x7D00, s14;
	s31 =	sadd.s32 s13, s9  }
0x16: {  	[hbm:s31] =	stream.linear.scatter [tilespmem:s14], [sflag:$0x3], $0x6400, $0x38;
	[tilespmem:$0x1A900] =	vst v63  }
.LBB2_5:
0x17: {  	p2 =	sne.s32 s12, s10  }
.Ltmp1:
0x18: {  	p1 =	slt.u32 s12, $0x2;
	(pc) =	sbr.rel @!p2 .LBB2_6-.Ltmp1, $4  }
0x19: {  	s13 =	simm.s32 @!p1 $0x3  }
0x1a: {  	_ =	swait.ge @!p1 [sflag:s13], $0xC800  }
0x1b: {  	s14 =	sadd.s32 $0x1, s12;
	p0 =	por !p0, !p0;
	[sflag:s13] =	ssyncset.done @!p1 $0x0  }
0x1c: {  	s12 =	smov.u32 s14;
	[sflag:s13] =	ssyncadd.s32 @!p1 $0xFFFF3800;
	s13 =	smov.u32 s2  }
.LBB2_1:
0x1d: {  	p1 =	sge.u32 s12, s7  }
0x1e: {  	s14 =	sxor.u32 @!p1 $0x1, s12  }
0x1f: {  	s14 =	smul.u32 @!p1 $0x3200, s14;
	_ =	sdelay $0x1  }
0x20: {  	s31 =	sadd.s32 $0xFFFFFFFF, s12;
	s15 =	simm.s32 @!p1 $0x0;
	s14 =	sshra.s32 @!p1 s14, $0x2  }
0x21: {  	[tilespmem:s14], [sflag:$0x2] =	stream.linear.gather @!p1 [hbm4b:s8+s15], $0xC80, $0x38;
	[tilespmem:$0x1A900] =	vst v63  }
0x22: {  	p1 =	sge.u32 s31, s7  }
.Ltmp2:
0x23: {  	_ = 	snop;
	(pc) =	sbr.rel @p1 .LBB2_5-.Ltmp2, $1  }
0x24: {  	_ =	sdelay $0x3  }
0x25: {  	s14 =	simm.s32 $0x1  }
0x26: {  	s14 =	simm.s32 @!p0 $0x0  }
0x27: {  	_ =	swait.ge [sflag:s6], $0xC80;
	s14 =	smul.u32 $0x3200, s14  }
0x28: {  	[sflag:s6] =	ssyncset.done $0x0  }
0x29: {  	[sflag:s6] =	ssyncadd.s32 $0xFFFFF380;
	s18 =	sshrl.u32 s14, $0x2  }
0x2a: {  	v0 =	vld.msk [tilespmem:s18+$0x0 ss:$0x1], $0xffff;
	_ =	sdelay $0x4  }
0x2b: {  	v1 =	vshrl.u32 v0, $0xA  }
0x2c: {  	v2 =	vand.u32 $0x3FF, v0;
	vm1 =	veq.s32 v0, $0x80000000;
	v0 =	vand.u32 $0x1FFF, v1  }
0x2d: {  	v1 =	vmul.u32 $0x19000, v2;
	v0 =	vsel vm1, $0xFFFFFFFF, v0  }
0x2e: {  	v2 =	vshll.u32 v0, $0x3  }
0x2f: {  	s30 =	sand.u32 $0x1, s12;
	v1 =	vsel vm1, $0xFFFE7000, v1;
	v2 =	vand.u32 $0xFFFFFC00, v2  }
0x30: {  	s14 =	smul.u32 $0x32000, s30;
	v0 =	vand.u32 $0x7F, v0;
	v1 =	vadd.s32 v1, v2  }
0x31: {  	v0 =	vor.u32 v0, v1  }
0x32: {  	s16 =	simm.s32 $0x0;
	s14 =	sshrl.u32 s14, $0x2  }
0x33: {  	s17 =	sand.u32 $0x7C00, s16;
	s15 =	sadd.s32 $0x1900, s14  }
0x34: {  	s19 =	sand.u32 $0x70, s16;
	(ifvalue) =	ssetifvalue $0x7FFFFFFF;
	s17 =	sadd.s32 s17, s15;
	v1 =	vor.u32 $0x80, v0  }
0x35: {  	(ifvalue) =	ssetifvalue $0x7FFFFFFF;
	s19 =	sadd.s32 s19, s17  }
0x36: {  	[tilespmem:s19], [sflag:$0x1] =	stream.indirect_vreg.gather [hbm4b:s3+s11], $0x1, v0, vm0, $0x4038;
	[tilespmem:$0x1A900] =	vst v63  }
0x37: {  	v2 =	vor.u32 $0x100, v0;
	(ifvalue) =	ssetifvalue $0x7FFFFFFF  }
0x38: {  	s17 =	sadd.s32 $0x80, s19;
	(ifvalue) =	ssetifvalue $0x7FFFFFFF  }
0x39: {  	[tilespmem:s17], [sflag:$0x1] =	stream.indirect_vreg.gather [hbm4b:s3+s11], $0x1, v1, vm0, $0x4038;
	[tilespmem:$0x1A900] =	vst v63  }
0x3a: {  	v1 =	vor.u32 $0x180, v0;
	(ifvalue) =	ssetifvalue $0x7FFFFFFF  }
0x3b: {  	s31 =	sadd.s32 $0x100, s19;
	(ifvalue) =	ssetifvalue $0x7FFFFFFF  }
0x3c: {  	[tilespmem:s31], [sflag:$0x1] =	stream.indirect_vreg.gather [hbm4b:s3+s11], $0x1, v2, vm0, $0x4038;
	[tilespmem:$0x1A900] =	vst v63  }
0x3d: {  	v2 =	vor.u32 $0x200, v0;
	(ifvalue) =	ssetifvalue $0x7FFFFFFF  }
0x3e: {  	s20 =	sadd.s32 $0x180, s19;
	(ifvalue) =	ssetifvalue $0x7FFFFFFF  }
0x3f: {  	[tilespmem:s20], [sflag:$0x1] =	stream.indirect_vreg.gather [hbm4b:s3+s11], $0x1, v1, vm0, $0x4038;
	[tilespmem:$0x1A900] =	vst v63  }
0x40: {  	(ifvalue) =	ssetifvalue $0x7FFFFFFF;
	v1 =	vor.u32 $0x280, v0  }
0x41: {  	s21 =	sadd.s32 $0x200, s19;
	(ifvalue) =	ssetifvalue $0x7FFFFFFF  }
0x42: {  	[tilespmem:s21], [sflag:$0x1] =	stream.indirect_vreg.gather [hbm4b:s3+s11], $0x1, v2, vm0, $0x4038;
	[tilespmem:$0x1A900] =	vst v63  }
0x43: {  	(ifvalue) =	ssetifvalue $0x7FFFFFFF;
	v2 =	vor.u32 $0x300, v0  }
0x44: {  	s23 =	sand.u32 $0x7, s16;
	s22 =	sadd.s32 $0x280, s19;
	(ifvalue) =	ssetifvalue $0x7FFFFFFF  }
0x45: {  	[tilespmem:s22], [sflag:$0x1] =	stream.indirect_vreg.gather [hbm4b:s3+s11], $0x1, v1, vm0, $0x4038;
	[tilespmem:$0x1A900] =	vst v63  }
0x46: {  	s17 =	sshll.u32 s23, $0x4;
	(ifvalue) =	ssetifvalue $0x7FFFFFFF;
	v1 =	vor.u32 $0x380, v0  }
0x47: {  	s17 =	sadd.s32 $0x0, s17;
	s20 =	sadd.s32 $0x300, s19;
	(ifvalue) =	ssetifvalue $0x7FFFFFFF  }
0x48: {  	[tilespmem:s20], [sflag:$0x1] =	stream.indirect_vreg.gather [hbm4b:s3+s11], $0x1, v2, vm0, $0x4038;
	[tilespmem:$0x1A900] =	vst v63  }
0x49: {  	s17 =	sor.u32 $0x380, s17;
	(ifvalue) =	ssetifvalue $0x7FFFFFFF;
	v2 =	vadd.s32 $0xC800, v0  }
0x4a: {  	s17 =	sadd.s32 s17, s15;
	(ifvalue) =	ssetifvalue $0x7FFFFFFF  }
0x4b: {  	[tilespmem:s17], [sflag:$0x1] =	stream.indirect_vreg.gather [hbm4b:s3+s11], $0x1, v1, vm0, $0x4038;
	[tilespmem:$0x1A900] =	vst v63  }
0x4c: {  	v1 =	vadd.s32 $0xC880, v0;
	(ifvalue) =	ssetifvalue $0x7FFFFFFF  }
0x4d: {  	s24 =	sadd.s32 $0x6400, s19;
	(ifvalue) =	ssetifvalue $0x7FFFFFFF  }
0x4e: {  	[tilespmem:s24], [sflag:$0x1] =	stream.indirect_vreg.gather [hbm4b:s3+s11], $0x1, v2, vm0, $0x4038;
	[tilespmem:$0x1A900] =	vst v63  }
0x4f: {  	v2 =	vadd.s32 $0xC900, v0;
	(ifvalue) =	ssetifvalue $0x7FFFFFFF  }
0x50: {  	s25 =	sadd.s32 $0x6480, s19;
	(ifvalue) =	ssetifvalue $0x7FFFFFFF  }
0x51: {  	[tilespmem:s25], [sflag:$0x1] =	stream.indirect_vreg.gather [hbm4b:s3+s11], $0x1, v1, vm0, $0x4038;
	[tilespmem:$0x1A900] =	vst v63  }
0x52: {  	v1 =	vadd.s32 $0xC980, v0;
	(ifvalue) =	ssetifvalue $0x7FFFFFFF  }
0x53: {  	s26 =	sadd.s32 $0x6500, s19;
	(ifvalue) =	ssetifvalue $0x7FFFFFFF  }
0x54: {  	[tilespmem:s26], [sflag:$0x1] =	stream.indirect_vreg.gather [hbm4b:s3+s11], $0x1, v2, vm0, $0x4038;
	[tilespmem:$0x1A900] =	vst v63  }
0x55: {  	v2 =	vadd.s32 $0xCA00, v0;
	(ifvalue) =	ssetifvalue $0x7FFFFFFF  }
0x56: {  	s28 =	sadd.s32 $0x6580, s19;
	(ifvalue) =	ssetifvalue $0x7FFFFFFF  }
0x57: {  	[tilespmem:s28], [sflag:$0x1] =	stream.indirect_vreg.gather [hbm4b:s3+s11], $0x1, v1, vm0, $0x4038;
	[tilespmem:$0x1A900] =	vst v63  }
0x58: {  	v1 =	vadd.s32 $0xCA80, v0;
	(ifvalue) =	ssetifvalue $0x7FFFFFFF  }
0x59: {  	s29 =	sadd.s32 $0x6600, s19;
	(ifvalue) =	ssetifvalue $0x7FFFFFFF  }
0x5a: {  	[tilespmem:s29], [sflag:$0x1] =	stream.indirect_vreg.gather [hbm4b:s3+s11], $0x1, v2, vm0, $0x4038;
	[tilespmem:$0x1A900] =	vst v63  }
0x5b: {  	v2 =	vadd.s32 $0xCB00, v0;
	(ifvalue) =	ssetifvalue $0x7FFFFFFF  }
0x5c: {  	s30 =	sadd.s32 $0x6680, s19;
	(ifvalue) =	ssetifvalue $0x7FFFFFFF  }
0x5d: {  	[tilespmem:s30], [sflag:$0x1] =	stream.indirect_vreg.gather [hbm4b:s3+s11], $0x1, v1, vm0, $0x4038;
	[tilespmem:$0x1A900] =	vst v63  }
0x5e: {  	s18 =	sadd.s32 $0x10, s18;
	v0 =	vadd.s32 $0xCB80, v0;
	(ifvalue) =	ssetifvalue $0x7FFFFFFF  }
0x5f: {  	s31 =	sadd.s32 $0x6700, s19;
	s20 =	sadd.s32 $0x6780, s19;
	(ifvalue) =	ssetifvalue $0x7FFFFFFF  }
0x60: {  	[tilespmem:s31], [sflag:$0x1] =	stream.indirect_vreg.gather [hbm4b:s3+s11], $0x1, v2, vm0, $0x4038;
	[tilespmem:$0x1A900] =	vst v63  }
0x61: {  	s19 =	simm.s32 $0x0;
	s17 =	simm.s32 $0x10;
	(ifvalue) =	ssetifvalue $0x7FFFFFFF  }
.LBB2_3:
0x62: {  	(ifvalue) =	ssetifvalue $0x7FFFFFFF;
	s16 =	sadd.s32 $0x80, s16;
	s19 =	sadd.s32 $0x1, s19  }
0x63: {  	[tilespmem:s20], [sflag:$0x1] =	stream.indirect_vreg.gather [hbm4b:s3+s11], $0x1, v0, vm0, $0x4038;
	[tilespmem:$0x1A900] =	vst v63  }
0x64: {  	p1 =	sne.s32 s17, $0xC70;
	s20 =	smov.u32 s17;
	s17 =	sadd.s32 $0x10, s17;
	v0 =	vld.msk [tilespmem:s18+$0x0 ss:$0x1], $0xffff  }
0x65: {  	(ifvalue) =	ssetifvalue $0x7FFFFFFF;
	_ =	sdelay $0x4  }
0x66: {  	v1 =	vand.u32 $0x3FF, v0;
	v2 =	vshrl.u32 v0, $0xA  }
0x67: {  	vm1 =	veq.s32 v0, $0x80000000;
	v0 =	vand.u32 $0x1FFF, v2;
	v1 =	vmul.u32 $0x19000, v1  }
0x68: {  	v0 =	vsel vm1, $0xFFFFFFFF, v0  }
0x69: {  	v1 =	vsel vm1, $0xFFFE7000, v1;
	v2 =	vshll.u32 v0, $0x3  }
0x6a: {  	v2 =	vand.u32 $0xFFFFFC00, v2  }
0x6b: {  	v0 =	vand.u32 $0x7F, v0;
	v1 =	vadd.s32 v1, v2  }
0x6c: {  	v0 =	vor.u32 v0, v1;
	_ =	sdelay $0x1  }
0x6d: {  	s21 =	sand.u32 $0x7C00, s16  }
0x6e: {  	s20 =	sand.u32 $0x70, s20;
	s21 =	sadd.s32 s21, s15;
	v1 =	vor.u32 $0x80, v0  }
0x6f: {  	s20 =	sadd.s32 s20, s21;
	(ifvalue) =	ssetifvalue $0x7FFFFFFF  }
0x70: {  	[tilespmem:s20], [sflag:$0x1] =	stream.indirect_vreg.gather [hbm4b:s3+s11], $0x1, v0, vm0, $0x4038;
	[tilespmem:$0x1A900] =	vst v63  }
0x71: {  	v2 =	vor.u32 $0x100, v0;
	(ifvalue) =	ssetifvalue $0x7FFFFFFF  }
0x72: {  	s21 =	sadd.s32 $0x80, s20;
	(ifvalue) =	ssetifvalue $0x7FFFFFFF  }
0x73: {  	[tilespmem:s21], [sflag:$0x1] =	stream.indirect_vreg.gather [hbm4b:s3+s11], $0x1, v1, vm0, $0x4038;
	[tilespmem:$0x1A900] =	vst v63  }
0x74: {  	v1 =	vor.u32 $0x180, v0;
	(ifvalue) =	ssetifvalue $0x7FFFFFFF  }
0x75: {  	s21 =	sadd.s32 $0x100, s20;
	(ifvalue) =	ssetifvalue $0x7FFFFFFF  }
0x76: {  	[tilespmem:s21], [sflag:$0x1] =	stream.indirect_vreg.gather [hbm4b:s3+s11], $0x1, v2, vm0, $0x4038;
	[tilespmem:$0x1A900] =	vst v63  }
0x77: {  	v2 =	vor.u32 $0x200, v0;
	(ifvalue) =	ssetifvalue $0x7FFFFFFF  }
0x78: {  	s21 =	sadd.s32 $0x180, s20;
	(ifvalue) =	ssetifvalue $0x7FFFFFFF  }
0x79: {  	[tilespmem:s21], [sflag:$0x1] =	stream.indirect_vreg.gather [hbm4b:s3+s11], $0x1, v1, vm0, $0x4038;
	[tilespmem:$0x1A900] =	vst v63  }
0x7a: {  	v1 =	vor.u32 $0x280, v0;
	(ifvalue) =	ssetifvalue $0x7FFFFFFF  }
0x7b: {  	s21 =	sadd.s32 $0x200, s20;
	(ifvalue) =	ssetifvalue $0x7FFFFFFF  }
0x7c: {  	[tilespmem:s21], [sflag:$0x1] =	stream.indirect_vreg.gather [hbm4b:s3+s11], $0x1, v2, vm0, $0x4038;
	[tilespmem:$0x1A900] =	vst v63  }
0x7d: {  	v2 =	vor.u32 $0x300, v0;
	(ifvalue) =	ssetifvalue $0x7FFFFFFF  }
0x7e: {  	s21 =	sadd.s32 $0x280, s20;
	(ifvalue) =	ssetifvalue $0x7FFFFFFF  }
0x7f: {  	[tilespmem:s21], [sflag:$0x1] =	stream.indirect_vreg.gather [hbm4b:s3+s11], $0x1, v1, vm0, $0x4038;
	[tilespmem:$0x1A900] =	vst v63  }
0x80: {  	s21 =	sand.u32 $0x7, s19;
	v1 =	vor.u32 $0x380, v0;
	(ifvalue) =	ssetifvalue $0x7FFFFFFF  }
0x81: {  	s22 =	sadd.s32 $0x300, s20;
	s21 =	sshll.u32 s21, $0x4;
	(ifvalue) =	ssetifvalue $0x7FFFFFFF  }
0x82: {  	[tilespmem:s22], [sflag:$0x1] =	stream.indirect_vreg.gather [hbm4b:s3+s11], $0x1, v2, vm0, $0x4038;
	[tilespmem:$0x1A900] =	vst v63  }
0x83: {  	s21 =	sadd.s32 s21, s16;
	v2 =	vadd.s32 $0xC800, v0;
	(ifvalue) =	ssetifvalue $0x7FFFFFFF  }
0x84: {  	s21 =	sor.u32 $0x380, s21;
	(ifvalue) =	ssetifvalue $0x7FFFFFFF  }
0x85: {  	s21 =	sadd.s32 s21, s15  }
0x86: {  	[tilespmem:s21], [sflag:$0x1] =	stream.indirect_vreg.gather [hbm4b:s3+s11], $0x1, v1, vm0, $0x4038;
	v1 =	vadd.s32 $0xC880, v0;
	[tilespmem:$0x1A900] =	vst v63  }
0x87: {  	s21 =	sadd.s32 $0x6400, s20;
	(ifvalue) =	ssetifvalue $0x7FFFFFFF  }
0x88: {  	(ifvalue) =	ssetifvalue $0x7FFFFFFF  }
0x89: {  	[tilespmem:s21], [sflag:$0x1] =	stream.indirect_vreg.gather [hbm4b:s3+s11], $0x1, v2, vm0, $0x4038;
	v2 =	vadd.s32 $0xC900, v0;
	[tilespmem:$0x1A900] =	vst v63  }
0x8a: {  	s21 =	sadd.s32 $0x6480, s20;
	(ifvalue) =	ssetifvalue $0x7FFFFFFF  }
0x8b: {  	(ifvalue) =	ssetifvalue $0x7FFFFFFF  }
0x8c: {  	[tilespmem:s21], [sflag:$0x1] =	stream.indirect_vreg.gather [hbm4b:s3+s11], $0x1, v1, vm0, $0x4038;
	v1 =	vadd.s32 $0xC980, v0;
	[tilespmem:$0x1A900] =	vst v63  }
0x8d: {  	s21 =	sadd.s32 $0x6500, s20;
	(ifvalue) =	ssetifvalue $0x7FFFFFFF  }
0x8e: {  	(ifvalue) =	ssetifvalue $0x7FFFFFFF  }
0x8f: {  	[tilespmem:s21], [sflag:$0x1] =	stream.indirect_vreg.gather [hbm4b:s3+s11], $0x1, v2, vm0, $0x4038;
	v2 =	vadd.s32 $0xCA00, v0;
	[tilespmem:$0x1A900] =	vst v63  }
0x90: {  	s21 =	sadd.s32 $0x6580, s20;
	(ifvalue) =	ssetifvalue $0x7FFFFFFF  }
0x91: {  	(ifvalue) =	ssetifvalue $0x7FFFFFFF  }
0x92: {  	[tilespmem:s21], [sflag:$0x1] =	stream.indirect_vreg.gather [hbm4b:s3+s11], $0x1, v1, vm0, $0x4038;
	v1 =	vadd.s32 $0xCA80, v0;
	[tilespmem:$0x1A900] =	vst v63  }
0x93: {  	s21 =	sadd.s32 $0x6600, s20;
	(ifvalue) =	ssetifvalue $0x7FFFFFFF  }
0x94: {  	(ifvalue) =	ssetifvalue $0x7FFFFFFF  }
0x95: {  	[tilespmem:s21], [sflag:$0x1] =	stream.indirect_vreg.gather [hbm4b:s3+s11], $0x1, v2, vm0, $0x4038;
	v2 =	vadd.s32 $0xCB00, v0;
	[tilespmem:$0x1A900] =	vst v63  }
0x96: {  	s21 =	sadd.s32 $0x6680, s20;
	(ifvalue) =	ssetifvalue $0x7FFFFFFF  }
0x97: {  	(ifvalue) =	ssetifvalue $0x7FFFFFFF  }
0x98: {  	[tilespmem:s21], [sflag:$0x1] =	stream.indirect_vreg.gather [hbm4b:s3+s11], $0x1, v1, vm0, $0x4038;
	[tilespmem:$0x1A900] =	vst v63  }
.Ltmp3:
0x99: {  	v0 =	vadd.s32 $0xCB80, v0;
	(pc) =	sbr.rel @p1 .LBB2_3-.Ltmp3, $4  }
0x9a: {  	s21 =	sadd.s32 $0x6700, s20;
	(ifvalue) =	ssetifvalue $0x7FFFFFFF  }
0x9b: {  	(ifvalue) =	ssetifvalue $0x7FFFFFFF  }
0x9c: {  	[tilespmem:s21], [sflag:$0x1] =	stream.indirect_vreg.gather [hbm4b:s3+s11], $0x1, v2, vm0, $0x4038;
	[tilespmem:$0x1A900] =	vst v63  }
0x9d: {  	s18 =	sadd.s32 $0x10, s18;
	s20 =	sadd.s32 $0x6780, s20;
	(ifvalue) =	ssetifvalue $0x7FFFFFFF  }
.Ltmp4:
0x9e: {  	_ = 	snop;
	(pc) =	sbr.rel .LBB2_4-.Ltmp4, $1  }
0x9f: {  	_ =	sdelay $0x3  }
.LBB2_6:
0xa0: {  	_ =	sfence.sel $0x180000  }
0xa1: {  	s2 =	simm.s32 $0x2;
	[bflag:$0x0] =	sbarrier.arrive $0xFFFF  }
0xa2: {  	s30 =	simm.s32 $0x3;
	[sflag:s2] =	ssyncpa.u1 $0x1  }
0xa3: {  	s31 =	simm.s32 $0x1;
	[sflag:s30] =	ssyncpa.u1 $0x1  }
0xa4: {  	[sflag:s31] =	ssyncpa.u1 $0x1  }
0xa5: {  	p0 =	sne.s32 s0, $0x0;
	_ =	strace $0x90000047  }
0xa6: {  	s0 =	sadd.s32 @!p0 $0x100000, s1;
	[bflag:$0x2] =	sbarrier.arrive $0xFFFF  }
0xa7: {  	[sflag:s0] =	ssyncadd.tile.s32 @!p0 $0x1;
	_ =	shalt  }
.Lfunc_end2:
_tile_overlayer_lowered:
.L_overlay_start_2:
0xa8: {  	(tag) =	ssettag $0x2  }
0xa9: {  	s0 =	rddreg [dreg:$0x0];
	s2 =	stileid.u32  }
0xaa: {  	s1 =	rddreg [dreg:$0x1];
	p0 =	sne.s32 s2, $0x0  }
0xab: {  	s3 =	rddreg [dreg:$0x2];
	[bflag:$0x3] =	sbarrier.arrive $0xFFFF;
	s2 =	simm.s32 @!p0 $0x1C01  }
0xac: {  	[timem:s3], [sflag:s2] =	dma.local @!p0 [hbm:s0], s1  }
0xad: {  	s0 =	simm.s32 @!p0 $0x1  }
0xae: {  	_ =	swait.ge @!p0 [sflag:s0], s1  }
0xaf: {  	s1 =	ssub.s32 @!p0 $0x0, s1;
	[sflag:s0] =	ssyncset.done @!p0 $0x0  }
0xb0: {  	[sflag:s0] =	ssyncadd.s32 @!p0 s1  }
0xb1: {  	[bflag:$0x3] =	sbarrier.arrive $0xFFFF  }
0xb2: {  	_ =	shalt  }

// kernel: gather_offload_async_start.2
scs
__scs_entry_jumppad:
0x0: {  	(pc) =	sbr.rel $0x88, $3  }
0x1: {  	(tag) =	ssettag $0x0;
	lr =	simm.s32 $0x1  }
0x2: {  	[smem:$0x3F92] =	sst lr;
	_ =	strace $0xD0000000  }
0x3: {  	_ = 	snop  }
0x4: {  	_ = 	snop  }
0x5: {  	_ = 	snop  }
0x6: {  	_ = 	snop  }
0x7: {  	_ = 	snop  }
__scs_overlays_trampoline_lowered:
0x8: {  	[smem:$0x3FA1] =	sst s0  }
0x9: {  	[smem:$0x3FA2] =	sst s1  }
0xa: {  	[smem:$0x3FA3] =	sst s2  }
0xb: {  	[smem:$0x3FA4] =	sst s3  }
0xc: {  	[smem:$0x3FA5] =	sst s4  }
0xd: {  	[smem:$0x3FA6] =	sst s5  }
0xe: {  	[smem:$0x3FA7] =	sst s6  }
0xf: {  	[smem:$0x3FA8] =	sst s7  }
0x10: {  	[smem:$0x3FA9] =	sst s8  }
0x11: {  	[smem:$0x3FAA] =	sst s9;
	s0 =	simm.s32 @!p0 $0x0  }
0x12: {  	s1 =	sld [smem:$0x3F90];
	s0 =	simm.s32 @p0 $0x1  }
0x13: {  	[smem:$0x3FAB] =	sst s0;
	s0 =	simm.s32 @!p1 $0x0  }
0x14: {  	s2 =	sld [smem:$0x3F8F];
	s0 =	simm.s32 @p1 $0x1  }
0x15: {  	[smem:$0x3FAC] =	sst s0;
	s0 =	simm.s32 @!p2 $0x0  }
0x16: {  	s3 =	sld [smem:$0x3FDB];
	s0 =	simm.s32 @p2 $0x1  }
0x17: {  	s4 =	simm.s32 $0x1BF5;
	[smem:$0x3FAE] =	sst s0  }
0x18: {  	s0 =	sld [smem:$0x3F91];
	_ =	swait.ge [sflag:s4], $0x0  }
0x19: {  	s7 =	sld [smem:$0x3F92]  }
0x1a: {  	s8 =	sadd.s32 $0xFFFFE003, lr  }
0x1b: {  	s9 =	sadd.s32 $0xFFFFFEF7, lr;
	s5 =	simm.s32 $0xFFFFFFFF;
	p2 =	slt.u32 s8, $0xFFFFF086  }
0x1c: {  	p1 =	slt.u32 s9, $0xF7A;
	s5 =	simm.s32 @!p2 $0x0  }
0x1d: {  	s5 =	simm.s32 @p1 $0x1;
	p0 =	seq.s32 s7, s2  }
0x1e: {  	s7 =	smul.u32 @!p0 $0xF7A, s2;
	p2 =	seq.s32 @!p0 s5, $0x0  }
0x1f: {  	s9 =	smul.u32 $0xF7A, s1;
	s8 =	simm.s32 @!p0 $0x1BF5;
	p2 =	por !p2, p0  }
0x20: {  	[sflag:s8] =	ssyncset.s32 @!p0 $0xFFFFF086;
	s6 =	sadd.s32 @!p0 s3, s7;
	s7 =	simm.s32 @!p0 $0x108  }
0x21: {  	s3 =	sadd.s32 s3, s9;
	s6 =	sadd.s32 @!p0 $0x88, s6;
	s7 =	simm.s32 @p2 $0x1082  }
0x22: {  	[simem:s7], [sflag:s8] =	dma.local @!p0 [hbm:s6], $0xF7A  }
0x23: {  	s9 =	sor.u32 $0xD0000000, s2;
	s6 =	simm.s32 $0x108;
	_ =	swait.ge @!p0 [sflag:s8], $0x0  }
0x24: {  	s3 =	sadd.s32 $0x88, s3;
	s6 =	simm.s32 @!p1 $0x1082;
	[sflag:s4] =	ssyncset.s32 $0xFFFFF086  }
0x25: {  	[simem:s6], [sflag:s4] =	dma.local [hbm:s3], $0xF7A  }
0x26: {  	[smem:$0x3F92] =	sst s1;
	(tag) =	ssettag s2;
	_ =	strace s9  }
0x27: {  	s1 =	sld [smem:$0x3FA2]  }
0x28: {  	s2 =	sld [smem:$0x3FA3]  }
0x29: {  	s4 =	sld [smem:$0x3FA5]  }
0x2a: {  	p0 =	seq.s32 s5, $0x0;
	s5 =	sld [smem:$0x3FA6]  }
0x2b: {  	s6 =	sld [smem:$0x3FA7]  }
0x2c: {  	s7 =	sld [smem:$0x3FA8]  }
0x2d: {  	s3 =	simm.s32 $0x108;
	s8 =	sld [smem:$0x3FA9]  }
0x2e: {  	s3 =	simm.s32 @!p0 $0x1082;
	s9 =	sld [smem:$0x3FAA]  }
0x2f: {  	lr =	sadd.s32 s0, s3;
	s0 =	sld [smem:$0x3FA1]  }
0x30: {  	s3 =	sld [smem:$0x3FA4]  }
0x31: {  	[smem:$0x3FAD] =	sst s10  }
0x32: {  	s10 =	sld [smem:$0x3FAB];
	_ =	sdelay $0x3  }
0x33: {  	p0 =	seq.s32 s10, $0x1;
	s10 =	sld [smem:$0x3FAD];
	_ =	sdelay $0x3  }
0x34: {  	[smem:$0x3FAD] =	sst s10  }
0x35: {  	s10 =	sld [smem:$0x3FAC];
	_ =	sdelay $0x3  }
0x36: {  	p1 =	seq.s32 s10, $0x1;
	s10 =	sld [smem:$0x3FAD];
	_ =	sdelay $0x3  }
0x37: {  	[smem:$0x3FAD] =	sst s10  }
0x38: {  	s10 =	sld [smem:$0x3FAE]  }
0x39: {  	_ = 	snop;
	(pc) =	sbr.ind lr, $3  }
0x3a: {  	_ = 	snop  }
0x3b: {  	_ = 	snop  }
0x3c: {  	p2 =	seq.s32 s10, $0x1;
	s10 =	sld [smem:$0x3FAD]  }
0x3d: {  	_ =	shalt  }
0x3e: {  	_ =	shalt  }
0x3f: {  	_ =	shalt  }
0x40: {  	_ =	shalt  }
0x41: {  	_ =	shalt  }
0x42: {  	_ =	shalt  }
0x43: {  	_ =	shalt  }
0x44: {  	_ =	shalt  }
0x45: {  	_ =	shalt  }
0x46: {  	_ =	shalt  }
0x47: {  	_ =	shalt  }
0x48: {  	_ =	shalt  }
0x49: {  	_ =	shalt  }
0x4a: {  	_ =	shalt  }
0x4b: {  	_ =	shalt  }
0x4c: {  	_ =	shalt  }
0x4d: {  	_ =	shalt  }
0x4e: {  	_ =	shalt  }
0x4f: {  	_ =	shalt  }
0x50: {  	_ =	shalt  }
0x51: {  	_ =	shalt  }
0x52: {  	_ =	shalt  }
0x53: {  	_ =	shalt  }
0x54: {  	_ =	shalt  }
0x55: {  	_ =	shalt  }
0x56: {  	_ =	shalt  }
0x57: {  	_ =	shalt  }
0x58: {  	_ =	shalt  }
0x59: {  	_ =	shalt  }
0x5a: {  	_ =	shalt  }
0x5b: {  	_ =	shalt  }
0x5c: {  	_ =	shalt  }
0x5d: {  	_ =	shalt  }
0x5e: {  	_ =	shalt  }
0x5f: {  	_ =	shalt  }
0x60: {  	_ =	shalt  }
0x61: {  	_ =	shalt  }
0x62: {  	_ =	shalt  }
0x63: {  	_ =	shalt  }
0x64: {  	_ =	shalt  }
0x65: {  	_ =	shalt  }
0x66: {  	_ =	shalt  }
0x67: {  	_ =	shalt  }
0x68: {  	_ =	shalt  }
0x69: {  	_ =	shalt  }
0x6a: {  	_ =	shalt  }
0x6b: {  	_ =	shalt  }
0x6c: {  	_ =	shalt  }
0x6d: {  	_ =	shalt  }
0x6e: {  	_ =	shalt  }
0x6f: {  	_ =	shalt  }
0x70: {  	_ =	shalt  }
0x71: {  	_ =	shalt  }
0x72: {  	_ =	shalt  }
0x73: {  	_ =	shalt  }
0x74: {  	_ =	shalt  }
0x75: {  	_ =	shalt  }
0x76: {  	_ =	shalt  }
0x77: {  	_ =	shalt  }
0x78: {  	_ =	shalt  }
0x79: {  	_ =	shalt  }
0x7a: {  	_ =	shalt  }
0x7b: {  	_ =	shalt  }
0x7c: {  	_ =	shalt  }
0x7d: {  	_ =	shalt  }
0x7e: {  	_ =	shalt  }
0x7f: {  	_ =	shalt  }
0x80: {  	_ =	shalt  }
0x81: {  	_ =	shalt  }
0x82: {  	_ =	shalt  }
0x83: {  	_ =	shalt  }
0x84: {  	_ =	shalt  }
0x85: {  	_ =	shalt  }
0x86: {  	_ =	shalt  }
0x87: {  	_ =	shalt  }
.Lfunc_end0:
.L_simem_size_0:
called_computation.2_lowered:
.L_overlay_start_0:
0x88: {  	s2 =	sld [smem:$0x3FD9]  }
0x89: {  	s3 =	sld [smem:$0x3FFE];
	_ =	sdelay $0x1  }
0x8a: {  	s1 =	srdreg.scid  }
0x8b: {  	s0 =	sand.u32 $0x1, s1  }
0x8c: {  	s16 =	sshll.u32 s0, $0xA;
	s2 =	sadd.s32 s3, s2  }
0x8d: {  	s2 =	sadd.s32 s2, s16  }
0x8e: {  	[smem:$0x3FB9] =	sst s2  }
0x8f: {  	_ = 	snop  }
0x90: {  	(tm) =	ssettm $0x1  }
0x91: {  	s17 =	sld [smem:$0x3FFB];
	_ =	sdelay $0x3  }
0x92: {  	_ =	strace s17  }
0x93: {  	s2 =	sld [smem:$0x3FFC];
	_ =	sdelay $0x3  }
0x94: {  	_ =	strace s2  }
0x95: {  	s2 =	sld [smem:$0x3FFD];
	_ =	sdelay $0x3  }
0x96: {  	_ =	strace s2  }
0x97: {  	_ =	strace $0x8FFFFFFF  }
0x98: {  	s18 =	sld [smem:$0x3FDB];
	_ =	sdelay $0x1  }
0x99: {  	s19 =	simm.s32 $_scs_section_size  }
0x9a: {  	s4 =	simm.s32 $_size__tile_overlayer_lowered;
	s5 =	simm.s32 $_tile_overlayer_lowered  }
0x9b: {  	s22 =	simm.s32 $0x1BFF;
	s21 =	sshll.u32 s5, $0x1;
	s2 =	sadd.s32 s19, s18  }
0x9c: {  	s6 =	simm.s32 $0x0;
	s20 =	sshll.u32 s4, $0x1;
	s4 =	sadd.s32 s21, s2  }
0x9d: {  	[timem:s6], [sflag:s22] =	dma.local [hbm:s4], s20  }
0x9e: {  	_ =	swait.ge [sflag:s22], s20  }
0x9f: {  	s3 =	ssub.s32 $0x0, s20;
	[sflag:s22] =	ssyncset.done $0x0  }
0xa0: {  	[sflag:s22] =	ssyncadd.s32 s3;
	_ =	sdelay $0x1  }
0xa1: {  	s23 =	simm.s32 $0x1B8B  }
0xa2: {  	_ =	swait.ge [sflag:s23], $0x1  }
0xa3: {  	[sflag:s23] =	ssyncset.done $0x0  }
0xa4: {  	s25 =	simm.s32 $0x1B8E;
	s24 =	sld [smem:$0x3FFE];
	[sflag:s23] =	ssyncadd.s32 $0xFFFFFFFF  }
0xa5: {  	s26 =	simm.s32 $execute0_lowered;
	[smem:$0x3FD2] =	sst s25  }
0xa6: {  	s4 =	sshll.u32 s26, $0x1;
	_ =	strace $0x80000049;
	[dreg:$0x1] =	wrdreg $0xFFFFFFFF  }
0xa7: {  	s28 =	simm.s32 $_size_execute0_lowered;
	s2 =	sadd.s32 s2, s4;
	[dreg:$0x0] =	wrdreg $0x0  }
0xa8: {  	s4 =	sshll.u32 s28, $0x1;
	[dreg:$0x2] =	wrdreg s2  }
0xa9: {  	[dreg:$0x3] =	wrdreg s4  }
0xaa: {  	[dreg:$0x4] =	wrdreg $0xC0  }
0xab: {  	_ =	task [dreg:s6], $0x5FFFF  }
0xac: {  	[dreg:$0x1] =	wrdreg $0xFFFFFFFF  }
0xad: {  	[dreg:$0x0] =	wrdreg $0x60  }
0xae: {  	[dreg:$0x2] =	wrdreg s24  }
0xaf: {  	[dreg:$0x3] =	wrdreg $0x9  }
0xb0: {  	_ =	task.clear_ibuf [dreg:s6], $0x4FFFF;
	_ =	strace $0x90000049  }
0xb1: {  	s29 =	simm.s32 $0x9;
	_ =	strace $0x8000004B  }
0xb2: {  	_ =	swait.ge [sflag:s29], $0x1  }
0xb3: {  	[sflag:s29] =	ssyncadd.s32 $0xFFFFFFFF  }
0xb4: {  	_ =	strace $0x9000004B  }
0xb5: {  	_ =	sfence  }
0xb6: {  	s30 =	sld [smem:$0x0];
	_ =	sdelay $0x2  }
0xb7: {  	s31 =	sshll.u32 s1, $0xD;
	s1 =	sshrl.u32 s1, $0x2  }
0xb8: {  	s3 =	sand.u32 $0x4000, s31;
	s1 =	sadd.s32 s1, s30  }
0xb9: {  	s0 =	sor.u32 s3, s0;
	s1 =	sshll.u32 s1, $0x11  }
0xba: {  	s0 =	sor.u32 s1, s0  }
0xbb: {  	s0 =	sadd.s32 $0x8F2B, s0  }
0xbc: {  	[sflag:s0] =	ssyncadd.remote.s32 $0x1  }
0xbd: {  	_ =	sfence.sel $0xFFFF  }
0xbe: {  	[dreg:$0x0] =	wrdreg $0xFFFFFFFF;
	(pc) =	sbr.abs _section_cstart, $3  }
0xbf: {  	[dreg:$0x1] =	wrdreg $0xFFFFFFFF  }
0xc0: {  	_ =	task.clear_ibuf [dreg:s6], $0x2FFFF;
	_ =	strace $0x9FFFFFFF  }
0xc1: {  	(tm) =	ssettm $0x7FFFFFFF  }
tec
execute0_lowered:
.L_overlay_start_1:
0x0: {  	(tag) =	ssettag $0x1  }
0x1: {  	s8 =	rddreg [dreg:$0x0];
	s1 =	stileid.u32  }
0x2: {  	s2 =	srdreg.scid;
	s0 =	rddreg [dreg:$0x1]  }
0x3: {  	_ =	strace $0x8000004A;
	s5 =	simm.s32 $0x1;
	s9 =	simm.s32 $0x1  }
0x4: {  	s10 =	simm.s32 $0x3;
	s3 =	sand.u32 $0x1, s2;
	s4 =	sshll.u32 s1, $0x1  }
0x5: {  	s13 =	simm.s32 $0x0;
	s12 =	simm.s32 $0x0;
	s6 =	sor.u32 s4, s3  }
0x6: {  	s2 =	sadd.s32 $0x1C6A00, s8;
	[sflag:s5] =	ssyncpa.u1 $0x0;
	s4 =	smul.u32 $0x500, s6  }
0x7: {  	s3 =	sadd.s32 $0x18D800, s8;
	p0 =	slt.u32 s6, $0x9;
	s6 =	simm.s32 $0xA000  }
.Ltmp0:
0x8: {  	s6 =	simm.s32 @!p0 $0x0;
	s7 =	ssub.s32 $0xC800, s4;
	(pc) =	sbr.rel .LBB2_1-.Ltmp0, $4  }
0x9: {  	s9 =	simm.s32 @!p0 $0x0;
	p0 =	sne.s32 s7, s6;
	s7 =	simm.s32 $0x1  }
0xa: {  	s8 =	sadd.s32 $0x18F200, s8;
	s6 =	simm.s32 $0x2;
	s7 =	simm.s32 @!p0 $0x0  }
0xb: {  	s11 =	smov.u32 s4;
	[sflag:s6] =	ssyncpa.u1 $0x0;
	s7 =	sadd.s32 s9, s7  }
0xc: {  	vm0 =	vmmov $0xffff;
	[sflag:s10] =	ssyncpa.u1 $0x0;
	s10 =	simm.s32 $0x0;
	s9 =	sadd.s32 $0x1, s7  }
.LBB2_4:
0xd: {  	vm1 =	veq.s32 v0, $0x80000000;
	v63 =	vand.u32 $0x3FF, v0;
	v2 =	vand.u32 $0x7FF, v2  }
0xe: {  	v0 =	vsel vm1, $0xFFFFFFFF, v63;
	v2 =	vsel vm1, $0xFFFFFFFF, v2  }
0xf: {  	v3 =	vshll.u32 v2, $0xA;
	v4 =	vshll.u32 v0, $0x3  }
0x10: {  	v2 =	vshll.u32 v2, $0x7;
	v3 =	vand.u32 $0xFFFFE000, v3;
	v4 =	vand.u32 $0xFFFFFC00, v4  }
0x11: {  	v2 =	vand.u32 $0x380, v2;
	v3 =	vadd.s32 v4, v3  }
0x12: {  	v0 =	vand.u32 $0x7F, v0;
	v2 =	vor.u32 v2, v3  }
0x13: {  	v0 =	vor.u32 v0, v2;
	_ =	sdelay $0x1  }
0x14: {  	(ifvalue) =	ssetifvalue $0x7FFFFFFF;
	s15 =	sadd.s32 $0x10, s15  }
0x15: {  	[tilespmem:s15], [sflag:$0x1] =	stream.indirect_vreg.gather [hbm4b:s2+s10], $0x1, v1, vm0, $0x4038;
	[tilespmem:$0x1400] =	vst v63  }
0x16: {  	(ifvalue) =	ssetifvalue $0x7FFFFFFF;
	s15 =	sadd.s32 $0x10, s15  }
0x17: {  	[tilespmem:s15], [sflag:$0x1] =	stream.indirect_vreg.gather [hbm4b:s2+s10], $0x1, v0, vm0, $0x4038;
	[tilespmem:$0x1400] =	vst v63  }
0x18: {  	_ =	swait.ge [sflag:s5], $0x500  }
0x19: {  	s30 =	sshrl.u32 s13, $0x3;
	[sflag:s5] =	ssyncset.done $0x0  }
0x1a: {  	s31 =	sand.u32 $0x7, s13;
	s15 =	sadd.s32 s8, s30;
	[sflag:s5] =	ssyncadd.s32 $0xFFFFFB00  }
0x1b: {  	[hbm4b:s15+s31] =	stream.linear.scatter [tilespmem:s14], [sflag:$0x3], $0x500, $0x38;
	[tilespmem:$0x1400] =	vst v63  }
.LBB2_5:
0x1c: {  	s15 =	sadd.s32 $0xA000, s11  }
0x1d: {  	p1 =	sgt.s32 s15, $0xC7FF  }
0x1e: {  	s15 =	smov.u32 @p1 s4;
	p1 =	sne.s32 s12, s9  }
.Ltmp1:
0x1f: {  	p0 =	slt.u32 s12, $0x2;
	(pc) =	sbr.rel @!p1 .LBB2_6-.Ltmp1, $4  }
0x20: {  	s14 =	simm.s32 @!p0 $0x3  }
0x21: {  	_ =	swait.ge @!p0 [sflag:s14], $0x500  }
0x22: {  	s16 =	sadd.s32 $0x1, s12;
	s13 =	smov.u32 s11;
	[sflag:s14] =	ssyncset.done @!p0 $0x0  }
0x23: {  	s12 =	smov.u32 s16;
	s11 =	smov.u32 s15;
	[sflag:s14] =	ssyncadd.s32 @!p0 $0xFFFFFB00  }
.LBB2_1:
0x24: {  	p0 =	sge.u32 s12, s7  }
0x25: {  	s14 =	sxor.u32 @!p0 $0x1, s12  }
0x26: {  	s14 =	smul.u32 @!p0 $0x1400, s14  }
0x27: {  	s31 =	sadd.s32 $0xFFFFFFFF, s12;
	s15 =	sshrl.u32 @!p0 s11, $0x3  }
0x28: {  	s16 =	sand.u32 @!p0 $0x7, s11;
	s15 =	sadd.s32 @!p0 s3, s15;
	s14 =	sshra.s32 @!p0 s14, $0x2  }
0x29: {  	[tilespmem:s14], [sflag:$0x2] =	stream.linear.gather @!p0 [hbm4b:s15+s16], $0x500, $0x38;
	[tilespmem:$0x1400] =	vst v63  }
0x2a: {  	p0 =	sge.u32 s31, s7  }
.Ltmp2:
0x2b: {  	_ = 	snop;
	(pc) =	sbr.rel @p0 .LBB2_5-.Ltmp2, $1  }
0x2c: {  	_ =	sdelay $0x3  }
0x2d: {  	s14 =	sand.u32 $0x1, s12  }
0x2e: {  	_ =	swait.ge [sflag:s6], $0x500;
	p0 =	seq.s32 s14, $0x1;
	s14 =	simm.s32 $0x500  }
0x2f: {  	[sflag:s6] =	ssyncset.done $0x0;
	s14 =	simm.s32 @!p0 $0x0  }
0x30: {  	[sflag:s6] =	ssyncadd.s32 $0xFFFFFB00;
	(ifvalue) =	ssetifvalue $0x7FFFFFFF;
	v0 =	vld.msk [tilespmem:s14+$0x0 ss:$0x1], $0xffff;
	_ =	sdelay $0x4  }
0x31: {  	s15 =	sadd.s32 $0x10, s14;
	v1 =	vshrl.u32 v0, $0xA  }
0x32: {  	v2 =	vld.msk [tilespmem:s15+$0x0 ss:$0x1], $0xffff;
	vm1 =	veq.s32 v0, $0x80000000;
	v0 =	vand.u32 $0x3FF, v0;
	v1 =	vand.u32 $0x7FF, v1  }
0x33: {  	v0 =	vsel vm1, $0xFFFFFFFF, v0;
	v1 =	vsel vm1, $0xFFFFFFFF, v1  }
0x34: {  	v4 =	vshll.u32 v0, $0x3;
	v3 =	vshll.u32 v1, $0xA  }
0x35: {  	v4 =	vand.u32 $0xFFFFFC00, v4;
	v1 =	vshll.u32 v1, $0x7;
	v3 =	vand.u32 $0xFFFFE000, v3  }
0x36: {  	v0 =	vand.u32 $0x7F, v0;
	v1 =	vand.u32 $0x380, v1;
	v3 =	vadd.s32 v4, v3  }
0x37: {  	vm1 =	veq.s32 v2, $0x80000000;
	v1 =	vor.u32 v1, v3;
	v3 =	vshrl.u32 v2, $0xA  }
0x38: {  	s15 =	sadd.s32 $0x10, s15;
	v2 =	vand.u32 $0x3FF, v2;
	v1 =	vor.u32 v0, v1;
	v3 =	vand.u32 $0x7FF, v3  }
0x39: {  	v0 =	vld.msk [tilespmem:s15+$0x0 ss:$0x1], $0xffff;
	v2 =	vsel vm1, $0xFFFFFFFF, v2;
	v3 =	vsel vm1, $0xFFFFFFFF, v3  }
0x3a: {  	v5 =	vshll.u32 v2, $0x3;
	v63 =	vshll.u32 v3, $0xA  }
0x3b: {  	v5 =	vand.u32 $0xFFFFFC00, v5;
	v3 =	vshll.u32 v3, $0x7;
	v4 =	vand.u32 $0xFFFFE000, v63  }
0x3c: {  	s14 =	sor.u32 $0xA00, s14;
	(ifvalue) =	ssetifvalue $0x7FFFFFFF;
	v3 =	vand.u32 $0x380, v3;
	v4 =	vadd.s32 v5, v4  }
0x3d: {  	[tilespmem:s14], [sflag:$0x1] =	stream.indirect_vreg.gather [hbm4b:s2+s10], $0x1, v1, vm0, $0x4038;
	v1 =	vand.u32 $0x7F, v2;
	v3 =	vor.u32 v3, v4;
	[tilespmem:$0x1400] =	vst v63  }
0x3e: {  	s16 =	simm.s32 $0x20;
	s17 =	sadd.s32 $0x10, s15;
	s15 =	smov.u32 s14;
	v2 =	vshrl.u32 v0, $0xA;
	v1 =	vor.u32 v1, v3  }
.LBB2_3:
0x3f: {  	s16 =	sadd.s32 $0x10, s16;
	vm1 =	veq.s32 v0, $0x80000000;
	v3 =	vand.u32 $0x3FF, v0;
	v0 =	vld.msk [tilespmem:s17+$0x0 ss:$0x1], $0xffff;
	v2 =	vand.u32 $0x7FF, v2  }
0x40: {  	p0 =	slt.u32 s16, $0x4F0;
	v3 =	vsel vm1, $0xFFFFFFFF, v3;
	v2 =	vsel vm1, $0xFFFFFFFF, v2  }
.Ltmp3:
0x41: {  	v4 =	vshll.u32 v2, $0xA;
	v5 =	vshll.u32 v3, $0x3;
	(pc) =	sbr.rel @p0 .LBB2_3-.Ltmp3, $4  }
0x42: {  	s15 =	sadd.s32 $0x10, s15;
	v2 =	vshll.u32 v2, $0x7;
	v4 =	vand.u32 $0xFFFFE000, v4;
	v5 =	vand.u32 $0xFFFFFC00, v5;
	(ifvalue) =	ssetifvalue $0x7FFFFFFF  }
0x43: {  	v2 =	vand.u32 $0x380, v2;
	v4 =	vadd.s32 v5, v4;
	[tilespmem:s15], [sflag:$0x1] =	stream.indirect_vreg.gather [hbm4b:s2+s10], $0x1, v1, vm0, $0x4038;
	[tilespmem:$0x1400] =	vst v63  }
0x44: {  	v1 =	vand.u32 $0x7F, v3;
	v3 =	vor.u32 v2, v4  }
0x45: {  	s17 =	sadd.s32 $0x10, s17;
	v2 =	vshrl.u32 v0, $0xA;
	v1 =	vor.u32 v1, v3  }
.Ltmp4:
0x46: {  	_ = 	snop;
	(pc) =	sbr.rel .LBB2_4-.Ltmp4, $1  }
0x47: {  	_ =	sdelay $0x3  }
.LBB2_6:
0x48: {  	_ =	sfence.sel $0x180000  }
0x49: {  	s2 =	simm.s32 $0x2;
	[bflag:$0x0] =	sbarrier.arrive $0xFFFF  }
0x4a: {  	s30 =	simm.s32 $0x3;
	[sflag:s2] =	ssyncpa.u1 $0x1  }
0x4b: {  	s31 =	simm.s32 $0x1;
	[sflag:s30] =	ssyncpa.u1 $0x1  }
0x4c: {  	[sflag:s31] =	ssyncpa.u1 $0x1  }
0x4d: {  	p0 =	sne.s32 s1, $0x0;
	_ =	strace $0x9000004A  }
0x4e: {  	s0 =	sadd.s32 @!p0 $0x100000, s0;
	[bflag:$0x2] =	sbarrier.arrive $0xFFFF  }
0x4f: {  	[sflag:s0] =	ssyncadd.tile.s32 @!p0 $0x1;
	_ =	shalt  }
.Lfunc_end2:
_tile_overlayer_lowered:
.L_overlay_start_2:
0x50: {  	(tag) =	ssettag $0x2  }
0x51: {  	s0 =	rddreg [dreg:$0x0];
	s2 =	stileid.u32  }
0x52: {  	s1 =	rddreg [dreg:$0x1];
	p0 =	sne.s32 s2, $0x0  }
0x53: {  	s3 =	rddreg [dreg:$0x2];
	[bflag:$0x3] =	sbarrier.arrive $0xFFFF;
	s2 =	simm.s32 @!p0 $0x1C01  }
0x54: {  	[timem:s3], [sflag:s2] =	dma.local @!p0 [hbm:s0], s1  }
0x55: {  	s0 =	simm.s32 @!p0 $0x1  }
0x56: {  	_ =	swait.ge @!p0 [sflag:s0], s1  }
0x57: {  	s1 =	ssub.s32 @!p0 $0x0, s1;
	[sflag:s0] =	ssyncset.done @!p0 $0x0  }
0x58: {  	[sflag:s0] =	ssyncadd.s32 @!p0 s1  }
0x59: {  	[bflag:$0x3] =	sbarrier.arrive $0xFFFF  }
0x5a: {  	_ =	shalt  }

// kernel: gather_offload_async_start
scs
__scs_entry_jumppad:
0x0: {  	(pc) =	sbr.rel $0x88, $3  }
0x1: {  	(tag) =	ssettag $0x0;
	lr =	simm.s32 $0x1  }
0x2: {  	[smem:$0x3F92] =	sst lr;
	_ =	strace $0xD0000000  }
0x3: {  	_ = 	snop  }
0x4: {  	_ = 	snop  }
0x5: {  	_ = 	snop  }
0x6: {  	_ = 	snop  }
0x7: {  	_ = 	snop  }
__scs_overlays_trampoline_lowered:
0x8: {  	[smem:$0x3FA1] =	sst s0  }
0x9: {  	[smem:$0x3FA2] =	sst s1  }
0xa: {  	[smem:$0x3FA3] =	sst s2  }
0xb: {  	[smem:$0x3FA4] =	sst s3  }
0xc: {  	[smem:$0x3FA5] =	sst s4  }
0xd: {  	[smem:$0x3FA6] =	sst s5  }
0xe: {  	[smem:$0x3FA7] =	sst s6  }
0xf: {  	[smem:$0x3FA8] =	sst s7  }
0x10: {  	[smem:$0x3FA9] =	sst s8  }
0x11: {  	[smem:$0x3FAA] =	sst s9;
	s0 =	simm.s32 @!p0 $0x0  }
0x12: {  	s1 =	sld [smem:$0x3F90];
	s0 =	simm.s32 @p0 $0x1  }
0x13: {  	[smem:$0x3FAB] =	sst s0;
	s0 =	simm.s32 @!p1 $0x0  }
0x14: {  	s2 =	sld [smem:$0x3F8F];
	s0 =	simm.s32 @p1 $0x1  }
0x15: {  	[smem:$0x3FAC] =	sst s0;
	s0 =	simm.s32 @!p2 $0x0  }
0x16: {  	s3 =	sld [smem:$0x3FDB];
	s0 =	simm.s32 @p2 $0x1  }
0x17: {  	s4 =	simm.s32 $0x1BF5;
	[smem:$0x3FAE] =	sst s0  }
0x18: {  	s0 =	sld [smem:$0x3F91];
	_ =	swait.ge [sflag:s4], $0x0  }
0x19: {  	s7 =	sld [smem:$0x3F92]  }
0x1a: {  	s8 =	sadd.s32 $0xFFFFE003, lr  }
0x1b: {  	s9 =	sadd.s32 $0xFFFFFEF7, lr;
	s5 =	simm.s32 $0xFFFFFFFF;
	p2 =	slt.u32 s8, $0xFFFFF086  }
0x1c: {  	p1 =	slt.u32 s9, $0xF7A;
	s5 =	simm.s32 @!p2 $0x0  }
0x1d: {  	s5 =	simm.s32 @p1 $0x1;
	p0 =	seq.s32 s7, s2  }
0x1e: {  	s7 =	smul.u32 @!p0 $0xF7A, s2;
	p2 =	seq.s32 @!p0 s5, $0x0  }
0x1f: {  	s9 =	smul.u32 $0xF7A, s1;
	s8 =	simm.s32 @!p0 $0x1BF5;
	p2 =	por !p2, p0  }
0x20: {  	[sflag:s8] =	ssyncset.s32 @!p0 $0xFFFFF086;
	s6 =	sadd.s32 @!p0 s3, s7;
	s7 =	simm.s32 @!p0 $0x108  }
0x21: {  	s3 =	sadd.s32 s3, s9;
	s6 =	sadd.s32 @!p0 $0x88, s6;
	s7 =	simm.s32 @p2 $0x1082  }
0x22: {  	[simem:s7], [sflag:s8] =	dma.local @!p0 [hbm:s6], $0xF7A  }
0x23: {  	s9 =	sor.u32 $0xD0000000, s2;
	s6 =	simm.s32 $0x108;
	_ =	swait.ge @!p0 [sflag:s8], $0x0  }
0x24: {  	s3 =	sadd.s32 $0x88, s3;
	s6 =	simm.s32 @!p1 $0x1082;
	[sflag:s4] =	ssyncset.s32 $0xFFFFF086  }
0x25: {  	[simem:s6], [sflag:s4] =	dma.local [hbm:s3], $0xF7A  }
0x26: {  	[smem:$0x3F92] =	sst s1;
	(tag) =	ssettag s2;
	_ =	strace s9  }
0x27: {  	s1 =	sld [smem:$0x3FA2]  }
0x28: {  	s2 =	sld [smem:$0x3FA3]  }
0x29: {  	s4 =	sld [smem:$0x3FA5]  }
0x2a: {  	p0 =	seq.s32 s5, $0x0;
	s5 =	sld [smem:$0x3FA6]  }
0x2b: {  	s6 =	sld [smem:$0x3FA7]  }
0x2c: {  	s7 =	sld [smem:$0x3FA8]  }
0x2d: {  	s3 =	simm.s32 $0x108;
	s8 =	sld [smem:$0x3FA9]  }
0x2e: {  	s3 =	simm.s32 @!p0 $0x1082;
	s9 =	sld [smem:$0x3FAA]  }
0x2f: {  	lr =	sadd.s32 s0, s3;
	s0 =	sld [smem:$0x3FA1]  }
0x30: {  	s3 =	sld [smem:$0x3FA4]  }
0x31: {  	[smem:$0x3FAD] =	sst s10  }
0x32: {  	s10 =	sld [smem:$0x3FAB];
	_ =	sdelay $0x3  }
0x33: {  	p0 =	seq.s32 s10, $0x1;
	s10 =	sld [smem:$0x3FAD];
	_ =	sdelay $0x3  }
0x34: {  	[smem:$0x3FAD] =	sst s10  }
0x35: {  	s10 =	sld [smem:$0x3FAC];
	_ =	sdelay $0x3  }
0x36: {  	p1 =	seq.s32 s10, $0x1;
	s10 =	sld [smem:$0x3FAD];
	_ =	sdelay $0x3  }
0x37: {  	[smem:$0x3FAD] =	sst s10  }
0x38: {  	s10 =	sld [smem:$0x3FAE]  }
0x39: {  	_ = 	snop;
	(pc) =	sbr.ind lr, $3  }
0x3a: {  	_ = 	snop  }
0x3b: {  	_ = 	snop  }
0x3c: {  	p2 =	seq.s32 s10, $0x1;
	s10 =	sld [smem:$0x3FAD]  }
0x3d: {  	_ =	shalt  }
0x3e: {  	_ =	shalt  }
0x3f: {  	_ =	shalt  }
0x40: {  	_ =	shalt  }
0x41: {  	_ =	shalt  }
0x42: {  	_ =	shalt  }
0x43: {  	_ =	shalt  }
0x44: {  	_ =	shalt  }
0x45: {  	_ =	shalt  }
0x46: {  	_ =	shalt  }
0x47: {  	_ =	shalt  }
0x48: {  	_ =	shalt  }
0x49: {  	_ =	shalt  }
0x4a: {  	_ =	shalt  }
0x4b: {  	_ =	shalt  }
0x4c: {  	_ =	shalt  }
0x4d: {  	_ =	shalt  }
0x4e: {  	_ =	shalt  }
0x4f: {  	_ =	shalt  }
0x50: {  	_ =	shalt  }
0x51: {  	_ =	shalt  }
0x52: {  	_ =	shalt  }
0x53: {  	_ =	shalt  }
0x54: {  	_ =	shalt  }
0x55: {  	_ =	shalt  }
0x56: {  	_ =	shalt  }
0x57: {  	_ =	shalt  }
0x58: {  	_ =	shalt  }
0x59: {  	_ =	shalt  }
0x5a: {  	_ =	shalt  }
0x5b: {  	_ =	shalt  }
0x5c: {  	_ =	shalt  }
0x5d: {  	_ =	shalt  }
0x5e: {  	_ =	shalt  }
0x5f: {  	_ =	shalt  }
0x60: {  	_ =	shalt  }
0x61: {  	_ =	shalt  }
0x62: {  	_ =	shalt  }
0x63: {  	_ =	shalt  }
0x64: {  	_ =	shalt  }
0x65: {  	_ =	shalt  }
0x66: {  	_ =	shalt  }
0x67: {  	_ =	shalt  }
0x68: {  	_ =	shalt  }
0x69: {  	_ =	shalt  }
0x6a: {  	_ =	shalt  }
0x6b: {  	_ =	shalt  }
0x6c: {  	_ =	shalt  }
0x6d: {  	_ =	shalt  }
0x6e: {  	_ =	shalt  }
0x6f: {  	_ =	shalt  }
0x70: {  	_ =	shalt  }
0x71: {  	_ =	shalt  }
0x72: {  	_ =	shalt  }
0x73: {  	_ =	shalt  }
0x74: {  	_ =	shalt  }
0x75: {  	_ =	shalt  }
0x76: {  	_ =	shalt  }
0x77: {  	_ =	shalt  }
0x78: {  	_ =	shalt  }
0x79: {  	_ =	shalt  }
0x7a: {  	_ =	shalt  }
0x7b: {  	_ =	shalt  }
0x7c: {  	_ =	shalt  }
0x7d: {  	_ =	shalt  }
0x7e: {  	_ =	shalt  }
0x7f: {  	_ =	shalt  }
0x80: {  	_ =	shalt  }
0x81: {  	_ =	shalt  }
0x82: {  	_ =	shalt  }
0x83: {  	_ =	shalt  }
0x84: {  	_ =	shalt  }
0x85: {  	_ =	shalt  }
0x86: {  	_ =	shalt  }
0x87: {  	_ =	shalt  }
.Lfunc_end0:
.L_simem_size_0:
called_computation_lowered:
.L_overlay_start_0:
0x88: {  	s2 =	sld [smem:$0x3FD9]  }
0x89: {  	s3 =	sld [smem:$0x3FFE];
	_ =	sdelay $0x1  }
0x8a: {  	s1 =	srdreg.scid  }
0x8b: {  	s0 =	sand.u32 $0x1, s1  }
0x8c: {  	s16 =	sshll.u32 s0, $0xA;
	s2 =	sadd.s32 s3, s2  }
0x8d: {  	s2 =	sadd.s32 s2, s16  }
0x8e: {  	[smem:$0x3FB9] =	sst s2  }
0x8f: {  	_ = 	snop  }
0x90: {  	(tm) =	ssettm $0x1  }
0x91: {  	s17 =	sld [smem:$0x3FFB];
	_ =	sdelay $0x3  }
0x92: {  	_ =	strace s17  }
0x93: {  	s2 =	sld [smem:$0x3FFC];
	_ =	sdelay $0x3  }
0x94: {  	_ =	strace s2  }
0x95: {  	s2 =	sld [smem:$0x3FFD];
	_ =	sdelay $0x3  }
0x96: {  	_ =	strace s2  }
0x97: {  	_ =	strace $0x8FFFFFFF  }
0x98: {  	s18 =	sld [smem:$0x3FDB];
	_ =	sdelay $0x1  }
0x99: {  	s19 =	simm.s32 $_scs_section_size  }
0x9a: {  	s4 =	simm.s32 $_size__tile_overlayer_lowered;
	s5 =	simm.s32 $_tile_overlayer_lowered  }
0x9b: {  	s22 =	simm.s32 $0x1BFF;
	s21 =	sshll.u32 s5, $0x1;
	s2 =	sadd.s32 s19, s18  }
0x9c: {  	s6 =	simm.s32 $0x0;
	s20 =	sshll.u32 s4, $0x1;
	s4 =	sadd.s32 s21, s2  }
0x9d: {  	[timem:s6], [sflag:s22] =	dma.local [hbm:s4], s20  }
0x9e: {  	_ =	swait.ge [sflag:s22], s20  }
0x9f: {  	s3 =	ssub.s32 $0x0, s20;
	[sflag:s22] =	ssyncset.done $0x0  }
0xa0: {  	[sflag:s22] =	ssyncadd.s32 s3;
	_ =	sdelay $0x1  }
0xa1: {  	s23 =	simm.s32 $0x1B8B  }
0xa2: {  	_ =	swait.ge [sflag:s23], $0x1  }
0xa3: {  	[sflag:s23] =	ssyncset.done $0x0  }
0xa4: {  	s25 =	simm.s32 $0x1B8E;
	s24 =	sld [smem:$0x3FFE];
	[sflag:s23] =	ssyncadd.s32 $0xFFFFFFFF  }
0xa5: {  	s26 =	simm.s32 $execute0_lowered;
	[smem:$0x3FD2] =	sst s25  }
0xa6: {  	s4 =	sshll.u32 s26, $0x1;
	_ =	strace $0x8000004C;
	[dreg:$0x1] =	wrdreg $0xFFFFFFFF  }
0xa7: {  	s28 =	simm.s32 $_size_execute0_lowered;
	s2 =	sadd.s32 s2, s4;
	[dreg:$0x0] =	wrdreg $0x0  }
0xa8: {  	s4 =	sshll.u32 s28, $0x1;
	[dreg:$0x2] =	wrdreg s2  }
0xa9: {  	[dreg:$0x3] =	wrdreg s4  }
0xaa: {  	[dreg:$0x4] =	wrdreg $0xC0  }
0xab: {  	_ =	task [dreg:s6], $0x5FFFF  }
0xac: {  	[dreg:$0x1] =	wrdreg $0xFFFFFFFF  }
0xad: {  	[dreg:$0x0] =	wrdreg $0x60  }
0xae: {  	[dreg:$0x2] =	wrdreg s24  }
0xaf: {  	[dreg:$0x3] =	wrdreg $0x9  }
0xb0: {  	_ =	task.clear_ibuf [dreg:s6], $0x4FFFF;
	_ =	strace $0x9000004C  }
0xb1: {  	s29 =	simm.s32 $0x9;
	_ =	strace $0x8000004E  }
0xb2: {  	_ =	swait.ge [sflag:s29], $0x1  }
0xb3: {  	[sflag:s29] =	ssyncadd.s32 $0xFFFFFFFF  }
0xb4: {  	_ =	strace $0x9000004E  }
0xb5: {  	_ =	sfence  }
0xb6: {  	s30 =	sld [smem:$0x0];
	_ =	sdelay $0x2  }
0xb7: {  	s31 =	sshll.u32 s1, $0xD;
	s1 =	sshrl.u32 s1, $0x2  }
0xb8: {  	s3 =	sand.u32 $0x4000, s31;
	s1 =	sadd.s32 s1, s30  }
0xb9: {  	s0 =	sor.u32 s3, s0;
	s1 =	sshll.u32 s1, $0x11  }
0xba: {  	s0 =	sor.u32 s1, s0  }
0xbb: {  	s0 =	sadd.s32 $0x8F2B, s0  }
0xbc: {  	[sflag:s0] =	ssyncadd.remote.s32 $0x1  }
0xbd: {  	_ =	sfence.sel $0xFFFF  }
0xbe: {  	[dreg:$0x0] =	wrdreg $0xFFFFFFFF;
	(pc) =	sbr.abs _section_cstart, $3  }
0xbf: {  	[dreg:$0x1] =	wrdreg $0xFFFFFFFF  }
0xc0: {  	_ =	task.clear_ibuf [dreg:s6], $0x2FFFF;
	_ =	strace $0x9FFFFFFF  }
0xc1: {  	(tm) =	ssettm $0x7FFFFFFF  }
tec
execute0_lowered:
.L_overlay_start_1:
0x0: {  	(tag) =	ssettag $0x1  }
0x1: {  	s7 =	rddreg [dreg:$0x0]  }
0x2: {  	s1 =	srdreg.scid;
	s0 =	rddreg [dreg:$0x1]  }
0x3: {  	_ =	strace $0x8000004D;
	s3 =	simm.s32 $0x1;
	s5 =	simm.s32 $0x2  }
0x4: {  	s9 =	simm.s32 $0x3;
	s11 =	simm.s32 $0x0;
	s2 =	sshll.u32 s1, $0x4  }
.Ltmp0:
0x5: {  	s1 =	stileid.u32;
	s4 =	sand.u32 $0x10, s2;
	(pc) =	sbr.rel .LBB2_1-.Ltmp0, $4  }
0x6: {  	p0 =	por $0x0, $0x0;
	[sflag:s3] =	ssyncpa.u1 $0x0;
	s4 =	sor.u32 s1, s4  }
0x7: {  	s6 =	sadd.s32 $0x189800, s7;
	[sflag:s5] =	ssyncpa.u1 $0x0;
	s4 =	smul.u32 $0x640, s4  }
0x8: {  	s2 =	sadd.s32 $0x2E00, s7;
	s7 =	sadd.s32 $0x18B200, s7;
	[sflag:s9] =	ssyncpa.u1 $0x0  }
0x9: {  	vm0 =	vmmov $0xff;
	vm1 =	vcmask $0x3F20;
	s9 =	simm.s32 $0x0;
	s8 =	sadd.s32 $0x640, s4;
	s10 =	smov.u32 s4  }
.LBB2_6:
0xa: {  	[hbm:s15] =	stream.linear.scatter [tilespmem:s12], [sflag:$0x3], $0x400, $0x38;
	[tilespmem:$0x14280] =	vst v63  }
.LBB2_7:
0xb: {  	p1 =	slt.u32 s9, $0x2;
	s11 =	sadd.s32 $0x140, s10  }
0xc: {  	s13 =	smov.u32 s4;
	s9 =	sadd.s32 $0x1, s9;
	p2 =	slt.s32 s11, s8  }
0xd: {  	s13 =	smov.u32 @p2 s11;
	p2 =	sne.s32 s9, $0x7  }
.Ltmp1:
0xe: {  	_ = 	snop;
	(pc) =	sbr.rel @!p2 .LBB2_8-.Ltmp1, $4  }
0xf: {  	s12 =	simm.s32 @!p1 $0x3  }
0x10: {  	_ =	swait.ge @!p1 [sflag:s12], $0xA000  }
0x11: {  	p0 =	por !p0, !p0;
	[sflag:s12] =	ssyncset.done @!p1 $0x0  }
0x12: {  	s11 =	smov.u32 s10;
	s10 =	smov.u32 s13;
	[sflag:s12] =	ssyncadd.s32 @!p1 $0xFFFF6000  }
.LBB2_1:
0x13: {  	p1 =	sgt.u32 s9, $0x4  }
0x14: {  	s12 =	sxor.u32 @!p1 $0xFFFFFFFF, s9  }
0x15: {  	s12 =	sand.u32 @!p1 $0x1, s12  }
0x16: {  	s12 =	smul.u32 @!p1 $0x500, s12  }
0x17: {  	s31 =	sadd.s32 $0xFFFFFFFF, s9;
	s13 =	sshrl.u32 @!p1 s10, $0x3  }
0x18: {  	s14 =	sand.u32 @!p1 $0x7, s10;
	s13 =	sadd.s32 @!p1 s6, s13;
	s12 =	sshrl.u32 @!p1 s12, $0x2  }
0x19: {  	[tilespmem:s12], [sflag:$0x2] =	stream.linear.gather @!p1 [hbm4b:s13+s14], $0x140, $0x38;
	[tilespmem:$0x14280] =	vst v63  }
0x1a: {  	p1 =	sgt.u32 s31, $0x4  }
.Ltmp2:
0x1b: {  	_ = 	snop;
	(pc) =	sbr.rel @p1 .LBB2_7-.Ltmp2, $1  }
0x1c: {  	_ =	sdelay $0x3  }
0x1d: {  	s12 =	simm.s32 $0x1  }
0x1e: {  	s12 =	simm.s32 @!p0 $0x0  }
0x1f: {  	s13 =	smul.u32 $0x500, s12  }
0x20: {  	_ =	swait.ge [sflag:s5], $0x140  }
0x21: {  	[sflag:s5] =	ssyncset.done $0x0;
	s14 =	sshrl.u32 s13, $0x2  }
0x22: {  	[sflag:s5] =	ssyncadd.s32 $0xFFFFFEC0;
	s13 =	sadd.s32 $0x0, s14  }
0x23: {  	v0 =	vld.msk [tilespmem:s13+$0x0 ss:$0x1], $0xffff;
	_ =	sdelay $0x4  }
0x24: {  	vm2 =	vgt.s32 v0, $0x0  }
0x25: {  	v0 =	vnsel vm2, $0x0, v0  }
0x26: {  	v0 =	vmin.u32 v0, $0x1869F  }
0x27: {  	v0 =	vshll.u32 v0, $0x4  }
0x28: {  	s12 =	smul.u32 $0x28000, s12;
	_ =	sdelay $0x1  }
0x29: {  	s12 =	sshrl.u32 s12, $0x2  }
0x2a: {  	s12 =	sor.u32 $0x280, s12  }
0x2b: {  	[tilespmem:s12], [sflag:$0x1] =	stream.indirect_vreg.gather [hbm:s2], $0x80, v0, vm0, $0x38;
	[tilespmem:$0x14280] =	vst v63  }
0x2c: {  	s15 =	sadd.s32 $0x10, s14;
	s13 =	sadd.s32 $0x400, s12  }
0x2d: {  	[tilespmem:s13], [sflag:$0x1] =	stream.indirect_vreg.gather [hbm:s2], $0x80, v0, vm1, $0x38;
	[tilespmem:$0x14280] =	vst v63  }
0x2e: {  	s16 =	simm.s32 $0x80;
	v0 =	vld.msk [tilespmem:s15+$0x0 ss:$0x1], $0xffff;
	s15 =	smov.u32 s12  }
.LBB2_3:
0x2f: {  	p1 =	sne.s32 s16, $0x4C0;
	_ =	sdelay $0x4  }
0x30: {  	vm2 =	vgt.s32 v0, $0x0  }
0x31: {  	v0 =	vnsel vm2, $0x0, v0  }
0x32: {  	v0 =	vmin.u32 v0, $0x1869F  }
0x33: {  	v0 =	vshll.u32 v0, $0x4;
	_ =	sdelay $0x3  }
.Ltmp3:
0x34: {  	s17 =	sshra.s32 s16, $0x2;
	s15 =	sadd.s32 $0x800, s15;
	(pc) =	sbr.rel @p1 .LBB2_3-.Ltmp3, $4  }
0x35: {  	[tilespmem:s15], [sflag:$0x1] =	stream.indirect_vreg.gather [hbm:s2], $0x80, v0, vm0, $0x38;
	[tilespmem:$0x14280] =	vst v63  }
0x36: {  	s17 =	sadd.s32 s17, s14;
	s18 =	sadd.s32 $0x400, s15  }
0x37: {  	[tilespmem:s18], [sflag:$0x1] =	stream.indirect_vreg.gather [hbm:s2], $0x80, v0, vm1, $0x38;
	[tilespmem:$0x14280] =	vst v63  }
0x38: {  	s16 =	sadd.s32 $0x40, s16;
	v0 =	vld.msk [tilespmem:s17+$0x0 ss:$0x1], $0xffff  }
0x39: {  	_ =	sdelay $0x3  }
0x3a: {  	vm2 =	vgt.s32 v0, $0x0  }
0x3b: {  	v0 =	vnsel vm2, $0x0, v0  }
0x3c: {  	v0 =	vmin.u32 v0, $0x1869F  }
0x3d: {  	v0 =	vshll.u32 v0, $0x4;
	_ =	sdelay $0x3  }
0x3e: {  	s14 =	sadd.s32 $0x800, s15  }
0x3f: {  	[tilespmem:s14], [sflag:$0x1] =	stream.indirect_vreg.gather [hbm:s2], $0x80, v0, vm0, $0x38;
	[tilespmem:$0x14280] =	vst v63  }
0x40: {  	s14 =	sadd.s32 $0x400, s14  }
0x41: {  	[tilespmem:s14], [sflag:$0x1] =	stream.indirect_vreg.gather [hbm:s2], $0x80, v0, vm1, $0x38;
	[tilespmem:$0x14280] =	vst v63  }
0x42: {  	s11 =	sshll.u32 s11, $0x4;
	_ =	swait.ge [sflag:s3], $0xA000  }
0x43: {  	s11 =	sadd.s32 s11, s7;
	[sflag:s3] =	ssyncset.done $0x0  }
0x44: {  	s15 =	sadd.s32 $0x0, s11;
	s14 =	simm.s32 $0x80;
	[sflag:s3] =	ssyncadd.s32 $0xFFFF6000  }
.LBB2_5:
0x45: {  	[hbm:s15] =	stream.linear.scatter [tilespmem:s12], [sflag:$0x3], $0x400, $0x38;
	[tilespmem:$0x14280] =	vst v63  }
0x46: {  	s15 =	smov.u32 s14;
	s12 =	smov.u32 s13;
	p1 =	sne.s32 s14, $0x1380  }
.Ltmp4:
0x47: {  	s14 =	sadd.s32 $0x80, s14;
	(pc) =	sbr.rel @p1 .LBB2_5-.Ltmp4, $2  }
0x48: {  	_ =	sdelay $0x2  }
0x49: {  	s13 =	sadd.s32 $0x400, s13;
	s15 =	sadd.s32 s15, s11  }
.Ltmp5:
0x4a: {  	_ = 	snop;
	(pc) =	sbr.rel .LBB2_6-.Ltmp5, $1  }
0x4b: {  	_ =	sdelay $0x3  }
.LBB2_8:
0x4c: {  	_ =	sfence.sel $0x180000  }
0x4d: {  	s2 =	simm.s32 $0x2;
	[bflag:$0x0] =	sbarrier.arrive $0xFFFF  }
0x4e: {  	s30 =	simm.s32 $0x3;
	[sflag:s2] =	ssyncpa.u1 $0x1  }
0x4f: {  	s31 =	simm.s32 $0x1;
	[sflag:s30] =	ssyncpa.u1 $0x1  }
0x50: {  	[sflag:s31] =	ssyncpa.u1 $0x1  }
0x51: {  	p0 =	sne.s32 s1, $0x0;
	_ =	strace $0x9000004D  }
0x52: {  	s0 =	sadd.s32 @!p0 $0x100000, s0;
	[bflag:$0x2] =	sbarrier.arrive $0xFFFF  }
0x53: {  	[sflag:s0] =	ssyncadd.tile.s32 @!p0 $0x1;
	_ =	shalt  }
.Lfunc_end2:
_tile_overlayer_lowered:
.L_overlay_start_2:
0x54: {  	(tag) =	ssettag $0x2  }
0x55: {  	s0 =	rddreg [dreg:$0x0];
	s2 =	stileid.u32  }
0x56: {  	s1 =	rddreg [dreg:$0x1];
	p0 =	sne.s32 s2, $0x0  }
0x57: {  	s3 =	rddreg [dreg:$0x2];
	[bflag:$0x3] =	sbarrier.arrive $0xFFFF;
	s2 =	simm.s32 @!p0 $0x1C01  }
0x58: {  	[timem:s3], [sflag:s2] =	dma.local @!p0 [hbm:s0], s1  }
0x59: {  	s0 =	simm.s32 @!p0 $0x1  }
0x5a: {  	_ =	swait.ge @!p0 [sflag:s0], s1  }
0x5b: {  	s1 =	ssub.s32 @!p0 $0x0, s1;
	[sflag:s0] =	ssyncset.done @!p0 $0x0  }
0x5c: {  	[sflag:s0] =	ssyncadd.s32 @!p0 s1  }
0x5d: {  	[bflag:$0x3] =	sbarrier.arrive $0xFFFF  }
0x5e: {  	_ =	shalt  }

</sc_bundles>
